<compile_context>
chip_gen: v7x
topology: tpu7x:2x2x1
jax: 0.10.2.dev20260603
libtpu: 0.0.44.dev20260713+nightly
codegen_flags: <defaults>
</compile_context>

<pallas_src>
import functools
import math

import jax
import jax.numpy as jnp
from jax import lax
from jax.experimental import pallas as pl
from jax.experimental.pallas import tpu as pltpu
from jax.experimental.pallas import tpu_sc as plsc

D_MODEL = 768
NUM_EXPERTS = 8
D_FF = 3072
SEQ = 2048
CAPACITY = 512
LANES = 16
NUM_SLOTS = NUM_EXPERTS * CAPACITY
NUM_WORKERS = 32

BLK_F = 1536
BLK_R = 128

_MESH = plsc.VectorSubcoreMesh(core_axis_name="c", subcore_axis_name="s")
_SC_PARAMS = pltpu.CompilerParams(needs_layout_passes=False)

_ROWS_PER_W = NUM_SLOTS // NUM_WORKERS
_TOKS_PER_W = SEQ // NUM_WORKERS


def _gate_body(gw_ref, tok_ref, out_ref):
    out_ref[...] = lax.dot_general(
        gw_ref[...], tok_ref[...],
        dimension_numbers=(((1,), (1,)), ((), ())),
        preferred_element_type=jnp.float32,
    )


def _gate(tokens, gate_w):
    return pl.pallas_call(
        _gate_body,
        out_shape=jax.ShapeDtypeStruct((NUM_EXPERTS, SEQ), jnp.float32),
    )(gate_w, tokens)


@functools.partial(
    pl.kernel,
    out_type=[
        jax.ShapeDtypeStruct((NUM_SLOTS, D_MODEL), jnp.float32),
        jax.ShapeDtypeStruct((SEQ,), jnp.int32),
        jax.ShapeDtypeStruct((SEQ,), jnp.float32),
        jax.ShapeDtypeStruct((LANES,), jnp.int32),
    ],
    mesh=_MESH,
    compiler_params=_SC_PARAMS,
    scratch_types=[
        pltpu.VMEM((NUM_EXPERTS, SEQ), jnp.float32),
        pltpu.VMEM((NUM_SLOTS,), jnp.int32),
        pltpu.VMEM((SEQ,), jnp.int32),
        pltpu.VMEM((SEQ,), jnp.float32),
        pltpu.VMEM((LANES,), jnp.int32),
        pltpu.VMEM_SHARED((NUM_SLOTS,), jnp.int32),
        pltpu.VMEM((_ROWS_PER_W,), jnp.int32),
        pltpu.VMEM((_ROWS_PER_W, D_MODEL), jnp.float32),
        pltpu.SemaphoreType.DMA,
    ],
)
def _route_dispatch(lgt_hbm, tok_hbm, dsp_hbm, tts_hbm, scale_hbm, cnt_hbm,
                    lg_v, stt_v, tts_v, scale_v, cnt_v, stt_sh,
                    idx_v, rows_v, sem):
    c = lax.axis_index("c")
    s = lax.axis_index("s")
    wid = s * 2 + c

    @pl.when(s == 0)
    def _():
        pltpu.sync_copy(lgt_hbm, lg_v)

        def zero_body(i, _):
            base = i * LANES
            stt_v[pl.ds(base, LANES)] = (
                base + lax.iota(jnp.int32, LANES)
            ) & (SEQ - 1)
            return 0
        lax.fori_loop(0, NUM_SLOTS // LANES, zero_body, 0)

        def body(v, counts):
            ls = [lg_v[e, pl.ds(v * LANES, LANES)] for e in range(NUM_EXPERTS)]
            m = ls[0]
            for e in range(1, NUM_EXPERTS):
                m = jnp.maximum(m, ls[e])
            eid = jnp.full((LANES,), NUM_EXPERTS - 1, jnp.int32)
            for e in range(NUM_EXPERTS - 2, -1, -1):
                eid = jnp.where(ls[e] == m, e, eid)
            den = jnp.zeros((LANES,), jnp.float32)
            for e in range(NUM_EXPERTS):
                den = den + jnp.exp(ls[e] - m)
            prob = 1.0 / den

            rank = jnp.zeros((LANES,), jnp.int32)
            new_counts = []
            for e in range(NUM_EXPERTS):
                me = eid == e
                mi = jnp.where(me, 1, 0).astype(jnp.int32)
                cs = plsc.cumsum(mi)
                rank = jnp.where(me, cs - 1 + counts[e], rank)
                new_counts.append(counts[e] + jnp.sum(mi))

            kept = rank < CAPACITY
            tok = v * LANES + lax.iota(jnp.int32, LANES)
            slot = jnp.where(kept, eid * CAPACITY + rank, 0)
            tts_v[pl.ds(v * LANES, LANES)] = slot
            scale_v[pl.ds(v * LANES, LANES)] = jnp.where(kept, prob, 0.0)
            plsc.store_scatter(stt_v, [slot], tok, mask=kept)
            return tuple(new_counts)

        counts = lax.fori_loop(
            0, SEQ // LANES, body, (jnp.int32(0),) * NUM_EXPERTS
        )

        pltpu.sync_copy(stt_v, stt_sh)

        @pl.when(c == 0)
        def _():
            cv = jnp.zeros((LANES,), jnp.int32)
            lane = lax.iota(jnp.int32, LANES)
            for e in range(NUM_EXPERTS):
                cv = jnp.where(lane == e, jnp.minimum(counts[e], CAPACITY), cv)
            cnt_v[...] = cv
            pltpu.sync_copy(tts_v, tts_hbm)
            pltpu.sync_copy(scale_v, scale_hbm)
            pltpu.sync_copy(cnt_v, cnt_hbm)

    plsc.subcore_barrier()

    base = wid * _ROWS_PER_W
    pltpu.sync_copy(stt_sh.at[pl.ds(base, _ROWS_PER_W)], idx_v)
    pltpu.async_copy(tok_hbm.at[idx_v], rows_v, sem).wait()
    pltpu.sync_copy(rows_v, dsp_hbm.at[pl.ds(base, _ROWS_PER_W)])


def _ffn_body(cnt_ref, x_ref, w1_ref, w2_ref, out_ref):
    e = pl.program_id(0)
    fb = pl.program_id(1)
    nblk = (cnt_ref[e] + BLK_R - 1) // BLK_R

    @pl.when(fb == 0)
    def _():
        out_ref[...] = jnp.zeros_like(out_ref)

    w1b = w1_ref[0].astype(jnp.bfloat16)
    w2b = w2_ref[0].astype(jnp.bfloat16)

    def body(rb, _):
        r0 = pl.multiple_of(rb * BLK_R, BLK_R)
        x = x_ref[pl.ds(r0, BLK_R), :].astype(jnp.bfloat16)
        h = jax.nn.gelu(
            jnp.dot(x, w1b, preferred_element_type=jnp.float32)
        )
        out_ref[pl.ds(r0, BLK_R), :] += jnp.dot(
            h.astype(jnp.bfloat16), w2b, preferred_element_type=jnp.float32
        )
        return 0

    lax.fori_loop(0, nblk, body, 0)


def _ffn(counts, dispatch, w1, w2):
    grid_spec = pltpu.PrefetchScalarGridSpec(
        num_scalar_prefetch=1,
        grid=(NUM_EXPERTS, D_FF // BLK_F),
        in_specs=[
            pl.BlockSpec((CAPACITY, D_MODEL), lambda e, fb, *_: (e, 0)),
            pl.BlockSpec((1, D_MODEL, BLK_F), lambda e, fb, *_: (e, 0, fb)),
            pl.BlockSpec((1, BLK_F, D_MODEL), lambda e, fb, *_: (e, fb, 0)),
        ],
        out_specs=pl.BlockSpec((CAPACITY, D_MODEL), lambda e, fb, *_: (e, 0)),
    )
    return pl.pallas_call(
        _ffn_body,
        grid_spec=grid_spec,
        out_shape=jax.ShapeDtypeStruct((NUM_SLOTS, D_MODEL), jnp.float32),
        compiler_params=pltpu.CompilerParams(
            dimension_semantics=("arbitrary", "arbitrary"),
        ),
    )(counts, dispatch, w1, w2)


@functools.partial(
    pl.kernel,
    out_type=jax.ShapeDtypeStruct((SEQ, D_MODEL), jnp.float32),
    mesh=_MESH,
    compiler_params=_SC_PARAMS,
    scratch_types=[
        pltpu.VMEM((_TOKS_PER_W,), jnp.int32),
        pltpu.VMEM((_TOKS_PER_W,), jnp.float32),
        pltpu.VMEM((_TOKS_PER_W, D_MODEL), jnp.float32),
        pltpu.SemaphoreType.DMA,
    ],
)
def _combine(y_hbm, tts_hbm, scale_hbm, out_hbm, idx_v, sc_v, rows_v, sem):
    base = (lax.axis_index("s") * 2 + lax.axis_index("c")) * _TOKS_PER_W
    pltpu.sync_copy(tts_hbm.at[pl.ds(base, _TOKS_PER_W)], idx_v)
    pltpu.sync_copy(scale_hbm.at[pl.ds(base, _TOKS_PER_W)], sc_v)
    pltpu.async_copy(y_hbm.at[idx_v], rows_v, sem).wait()

    def body(i, _):
        sc = plsc.load_gather(sc_v, [jnp.zeros((LANES,), jnp.int32) + i])
        for j in range(D_MODEL // LANES):
            rows_v[i, pl.ds(j * LANES, LANES)] = (
                rows_v[i, pl.ds(j * LANES, LANES)] * sc
            )
        return 0

    lax.fori_loop(0, _TOKS_PER_W, body, 0)
    pltpu.sync_copy(rows_v, out_hbm.at[pl.ds(base, _TOKS_PER_W)])


def kernel(inputs, gate_w, w1, w2):
    tokens = inputs.reshape(-1, D_MODEL)
    logits_t = _gate(tokens, gate_w)
    dispatch, tts, scale, counts = _route_dispatch(logits_t, tokens)
    y = _ffn(counts, dispatch, w1, w2)
    out = _combine(y, tts, scale)
    return out.reshape(inputs.shape)

# --- scband reference (transcript-rebuilt; emitter-appended) ---
"""Pipeline reference for scband-moe-module-26611617366087 (READ-ONLY COPY).

The authoritative reference and input builder live on the scoring server;
editing this copy changes nothing except your own understanding.
"""

import math
import jax, jax.numpy as jnp
import numpy as np

D_MODEL = 768
NUM_EXPERTS = 8
D_FF = 3072
CAP_FACTOR_EVAL = 2.0
MIN_CAPACITY = 4


def _get_capacity(num_tokens, num_experts):
    # Top1Router.get_capacity (eval mode, drop_tks=True)
    capacity = math.floor(CAP_FACTOR_EVAL * num_tokens / num_experts)
    capacity += capacity % 2
    capacity = max(capacity, MIN_CAPACITY)
    assert capacity > 0
    return capacity


def setup_inputs(seed: int = 0) -> dict:
    key = jax.random.key(seed)
    k1, k2, k3, k4 = jax.random.split(key, 4)
    inputs = jax.random.normal(k1, (1, 2048, D_MODEL), dtype=jnp.float32)
    # FP32LinearGate weight: trunc_normal std=sqrt(0.1/d_model)
    gate_w = jax.random.normal(k2, (NUM_EXPERTS, D_MODEL), dtype=jnp.float32) * math.sqrt(0.1 / D_MODEL)
    # per-expert FFN weights (experts module)
    w1 = jax.random.normal(k3, (NUM_EXPERTS, D_MODEL, D_FF), dtype=jnp.float32) * (1.0 / math.sqrt(D_MODEL))
    w2 = jax.random.normal(k4, (NUM_EXPERTS, D_FF, D_MODEL), dtype=jnp.float32) * (1.0 / math.sqrt(D_FF))
    return {"inputs": inputs, "gate_w": gate_w, "w1": w1, "w2": w2}


def reference(inputs, gate_w, w1, w2):
    d_model = inputs.shape[-1]
    tokens = inputs.reshape(-1, d_model)
    # FP32LinearGate: F.linear(x, weight)
    gate_logits = tokens.astype(jnp.float32) @ gate_w.T
    # Top1Router (eval, select_policy='first', drop_tks=True, use_kernel=False)
    logits = jax.nn.softmax(gate_logits, axis=-1)
    s, e = logits.shape
    capacity = _get_capacity(s, e)
    top1_idx = jnp.argmax(gate_logits, axis=-1)
    mask = jax.nn.one_hot(top1_idx, e, dtype=jnp.int32)
    # moe_cumsum: cumsum - 1 (exclusive rank)
    ranks = jnp.cumsum(mask, axis=0) - 1
    mask = mask * (ranks < capacity).astype(jnp.int32)
    ranks = jnp.sum(mask * ranks, axis=-1)
    rank_oh = jax.nn.one_hot(ranks, capacity, dtype=logits.dtype)
    weight = mask.astype(logits.dtype) * logits
    combine_weights = weight[:, :, None] * rank_oh[:, None, :]  # [s, e, c]
    sec_mask_f = (combine_weights > 0).astype(inputs.dtype)
    # dispatch: matmul(sec_mask.permute(1,2,0), tokens) -> [e, c, d]
    dispatch_data = jnp.einsum('sec,sd->ecd', sec_mask_f, tokens)
    # experts: per-expert FFN (a2a_process with ep_size=1 is identity comm)
    h = jax.nn.gelu(jnp.einsum('ecd,edf->ecf', dispatch_data, w1))
    expert_output = jnp.einsum('ecf,efd->ecd', h, w2)
    # combine: [s, e*c] @ [e*c, d]
    cw = combine_weights.reshape(s, e * capacity).astype(inputs.dtype)
    ans = cw @ expert_output.reshape(e * capacity, d_model)
    return ans.reshape(inputs.shape)

if __name__ == "__main__":
    import jax
    _d = setup_inputs()
    print(jax.jit(kernel)(*tuple(_d.values())))

</pallas_src>

<mosaic_0001>
#map = affine_map<(d0, d1) -> (0, 0)>
#map1 = affine_map<(d0, d1) -> (0)>
module attributes {stable_mosaic.version = 14 : i64} {
  func.func @_combine(%arg0: i32, %arg1: i32, %arg2: memref<4096x768xf32, #tpu.memory_space<hbm>>, %arg3: memref<2048xi32, #tpu.memory_space<hbm>>, %arg4: memref<2048xf32, #tpu.memory_space<hbm>>, %arg5: memref<2048x768xf32, #tpu.memory_space<hbm>>, %arg6: memref<64xi32, #tpu.memory_space<vmem>>, %arg7: memref<64xf32, #tpu.memory_space<vmem>>, %arg8: memref<64x768xf32, #tpu.memory_space<vmem>>, %arg9: memref<!tpu.dma_semaphore, #tpu.memory_space<semaphore_mem>>) attributes {dimension_semantics = [#tpu.dimension_semantics<core_parallel>, #tpu.dimension_semantics<subcore_parallel>], iteration_bounds = array<i64: 2, 16>, scalar_prefetch = 0 : i64, scratch_operands = 4 : i64, tpu.core_type = #tpu.core_type<sc_vector_subcore>, window_params = [{transform_indices = #map}, {transform_indices = #map1}, {transform_indices = #map1}, {transform_indices = #map}]} {
    %mul3A = arith.constant 2 : i32
    %mul3A_0 = arith.muli %arg1, %mul3A : i32
    %add3A = arith.addi %mul3A_0, %arg0 : i32
    %mul3A_1 = arith.constant 64 : i32
    %mul3A_2 = arith.muli %add3A, %mul3A_1 : i32
    "tpu.region"() ({
      %run_scoped3A = tpu.sem_alloc : memref<!tpu.dma_semaphore, #tpu.memory_space<semaphore_mem>>
      %dma_start3A_13 = tpu.memref_slice %arg3[%mul3A_2] : memref<2048xi32, #tpu.memory_space<hbm>> -> memref<64xi32, #tpu.memory_space<hbm>>
      %dma_start3A_14 = tpu.memref_slice %arg3[%mul3A_2] : memref<2048xi32, #tpu.memory_space<hbm>> -> memref<64xi32, #tpu.memory_space<hbm>>
      tpu.enqueue_dma source(%dma_start3A_14 : memref<64xi32, #tpu.memory_space<hbm>>) target(%arg6 : memref<64xi32, #tpu.memory_space<vmem>>) target_semaphore(%run_scoped3A : memref<!tpu.dma_semaphore, #tpu.memory_space<semaphore_mem>>)
      %dma_wait3A_15 = tpu.memref_slice %arg3[%mul3A_2] : memref<2048xi32, #tpu.memory_space<hbm>> -> memref<64xi32, #tpu.memory_space<hbm>>
      %dma_wait3A_16 = tpu.memref_slice %arg3[%mul3A_2] : memref<2048xi32, #tpu.memory_space<hbm>> -> memref<64xi32, #tpu.memory_space<hbm>>
      tpu.wait_dma2 semaphore(%run_scoped3A : memref<!tpu.dma_semaphore, #tpu.memory_space<semaphore_mem>>) src(%dma_wait3A_16 : memref<64xi32, #tpu.memory_space<hbm>>) dst(%arg6 : memref<64xi32, #tpu.memory_space<vmem>>)
      tpu.yield
    }) : () -> ()
    "tpu.region"() ({
      %run_scoped3A = tpu.sem_alloc : memref<!tpu.dma_semaphore, #tpu.memory_space<semaphore_mem>>
      %dma_start3A_13 = tpu.memref_slice %arg4[%mul3A_2] : memref<2048xf32, #tpu.memory_space<hbm>> -> memref<64xf32, #tpu.memory_space<hbm>>
      %dma_start3A_14 = tpu.memref_slice %arg4[%mul3A_2] : memref<2048xf32, #tpu.memory_space<hbm>> -> memref<64xf32, #tpu.memory_space<hbm>>
      tpu.enqueue_dma source(%dma_start3A_14 : memref<64xf32, #tpu.memory_space<hbm>>) target(%arg7 : memref<64xf32, #tpu.memory_space<vmem>>) target_semaphore(%run_scoped3A : memref<!tpu.dma_semaphore, #tpu.memory_space<semaphore_mem>>)
      %dma_wait3A_15 = tpu.memref_slice %arg4[%mul3A_2] : memref<2048xf32, #tpu.memory_space<hbm>> -> memref<64xf32, #tpu.memory_space<hbm>>
      %dma_wait3A_16 = tpu.memref_slice %arg4[%mul3A_2] : memref<2048xf32, #tpu.memory_space<hbm>> -> memref<64xf32, #tpu.memory_space<hbm>>
      tpu.wait_dma2 semaphore(%run_scoped3A : memref<!tpu.dma_semaphore, #tpu.memory_space<semaphore_mem>>) src(%dma_wait3A_16 : memref<64xf32, #tpu.memory_space<hbm>>) dst(%arg7 : memref<64xf32, #tpu.memory_space<vmem>>)
      tpu.yield
    }) : () -> ()
    %dma_start3A = arith.constant 0 : i32
    %dma_start3A_3 = arith.constant 0 : i32
    %dma_start3A_4 = tpu.memref_slice %arg2[%dma_start3A, %dma_start3A_3] : memref<4096x768xf32, #tpu.memory_space<hbm>> -> memref<4096x768xf32, #tpu.memory_space<hbm>>
    tpu.enqueue_indirect_dma source(%dma_start3A_4 : memref<4096x768xf32, #tpu.memory_space<hbm>>) target(%arg8 : memref<64x768xf32, #tpu.memory_space<vmem>>) offsets(%arg6 : memref<64xi32, #tpu.memory_space<vmem>>) semaphore(%arg9 : memref<!tpu.dma_semaphore, #tpu.memory_space<semaphore_mem>>)
    %dma_wait3A = arith.constant 0 : i32
    %dma_wait3A_5 = arith.constant 0 : i32
    %dma_wait3A_6 = tpu.memref_slice %arg2[%dma_wait3A, %dma_wait3A_5] : memref<4096x768xf32, #tpu.memory_space<hbm>> -> memref<4096x768xf32, #tpu.memory_space<hbm>>
    tpu.wait_indirect_dma semaphore(%arg9 : memref<!tpu.dma_semaphore, #tpu.memory_space<semaphore_mem>>) src(%dma_wait3A_6 : memref<4096x768xf32, #tpu.memory_space<hbm>>) dst(%arg8 : memref<64x768xf32, #tpu.memory_space<vmem>>)
    %scan3A = arith.constant 0 : i32
    %scan3A_7 = arith.constant 0 : i32
    %scan3A_8 = arith.constant 64 : i32
    %scan3A_9 = arith.addi %scan3A_7, %scan3A_8 : i32
    %scan3A_10 = arith.constant 1 : i32
    %scan3A_11 = scf.for %scan3A_13 = %scan3A_7 to %scan3A_9 step %scan3A_10 iter_args(%scan3A_14 = %scan3A) -> (i32)  : i32 {
      %broadcast_in_dim3A = arith.constant 0 : i32
      %broadcast_in_dim3A_15 = vector.broadcast %broadcast_in_dim3A : i32 to vector<16xi32>
      %add3A_16 = vector.broadcast %scan3A_13 : i32 to vector<16xi32>
      %add3A_17 = arith.addi %broadcast_in_dim3A_15, %add3A_16 : vector<16xi32>
      %gather3A = tpu.vector_load_idx %arg7[%add3A_17] : memref<64xf32, #tpu.memory_space<vmem>>[vector<16xi32>], vector<16xf32>,
      %get3A = arith.index_cast %scan3A_13 : i32 to index
      %get3A_18 = arith.constant 0 : index
      %get3A_19 = tpu.vector_load %arg8[%get3A, %get3A_18] {strides = array<i32>} : memref<64x768xf32, #tpu.memory_space<vmem>>, vector<16xf32>,
      %mul3A_20 = arith.mulf %get3A_19, %gather3A : vector<16xf32>
      %swap3A = arith.index_cast %scan3A_13 : i32 to index
      %swap3A_21 = arith.constant 0 : index
      %swap3A_22 = tpu.vector_load %arg8[%swap3A, %swap3A_21] {strides = array<i32>} : memref<64x768xf32, #tpu.memory_space<vmem>>, vector<16xf32>,
      tpu.vector_store %arg8[%swap3A, %swap3A_21], %mul3A_20 {strides = array<i32>} : memref<64x768xf32, #tpu.memory_space<vmem>>, vector<16xf32>,
      %get3A_23 = arith.index_cast %scan3A_13 : i32 to index
      %get3A_24 = arith.constant 16 : index
      %get3A_25 = tpu.vector_load %arg8[%get3A_23, %get3A_24] {strides = array<i32>} : memref<64x768xf32, #tpu.memory_space<vmem>>, vector<16xf32>,
      %mul3A_26 = arith.mulf %get3A_25, %gather3A : vector<16xf32>
      %swap3A_27 = arith.index_cast %scan3A_13 : i32 to index
      %swap3A_28 = arith.constant 16 : index
      %swap3A_29 = tpu.vector_load %arg8[%swap3A_27, %swap3A_28] {strides = array<i32>} : memref<64x768xf32, #tpu.memory_space<vmem>>, vector<16xf32>,
      tpu.vector_store %arg8[%swap3A_27, %swap3A_28], %mul3A_26 {strides = array<i32>} : memref<64x768xf32, #tpu.memory_space<vmem>>, vector<16xf32>,
      %get3A_30 = arith.index_cast %scan3A_13 : i32 to index
      %get3A_31 = arith.constant 32 : index
      %get3A_32 = tpu.vector_load %arg8[%get3A_30, %get3A_31] {strides = array<i32>} : memref<64x768xf32, #tpu.memory_space<vmem>>, vector<16xf32>,
      %mul3A_33 = arith.mulf %get3A_32, %gather3A : vector<16xf32>
      %swap3A_34 = arith.index_cast %scan3A_13 : i32 to index
      %swap3A_35 = arith.constant 32 : index
      %swap3A_36 = tpu.vector_load %arg8[%swap3A_34, %swap3A_35] {strides = array<i32>} : memref<64x768xf32, #tpu.memory_space<vmem>>, vector<16xf32>,
      tpu.vector_store %arg8[%swap3A_34, %swap3A_35], %mul3A_33 {strides = array<i32>} : memref<64x768xf32, #tpu.memory_space<vmem>>, vector<16xf32>,
      %get3A_37 = arith.index_cast %scan3A_13 : i32 to index
      %get3A_38 = arith.constant 48 : index
      %get3A_39 = tpu.vector_load %arg8[%get3A_37, %get3A_38] {strides = array<i32>} : memref<64x768xf32, #tpu.memory_space<vmem>>, vector<16xf32>,
      %mul3A_40 = arith.mulf %get3A_39, %gather3A : vector<16xf32>
      %swap3A_41 = arith.index_cast %scan3A_13 : i32 to index
      %swap3A_42 = arith.constant 48 : index
      %swap3A_43 = tpu.vector_load %arg8[%swap3A_41, %swap3A_42] {strides = array<i32>} : memref<64x768xf32, #tpu.memory_space<vmem>>, vector<16xf32>,
      tpu.vector_store %arg8[%swap3A_41, %swap3A_42], %mul3A_40 {strides = array<i32>} : memref<64x768xf32, #tpu.memory_space<vmem>>, vector<16xf32>,
      %get3A_44 = arith.index_cast %scan3A_13 : i32 to index
      %get3A_45 = arith.constant 64 : index
      %get3A_46 = tpu.vector_load %arg8[%get3A_44, %get3A_45] {strides = array<i32>} : memref<64x768xf32, #tpu.memory_space<vmem>>, vector<16xf32>,
      %mul3A_47 = arith.mulf %get3A_46, %gather3A : vector<16xf32>
      %swap3A_48 = arith.index_cast %scan3A_13 : i32 to index
      %swap3A_49 = arith.constant 64 : index
      %swap3A_50 = tpu.vector_load %arg8[%swap3A_48, %swap3A_49] {strides = array<i32>} : memref<64x768xf32, #tpu.memory_space<vmem>>, vector<16xf32>,
      tpu.vector_store %arg8[%swap3A_48, %swap3A_49], %mul3A_47 {strides = array<i32>} : memref<64x768xf32, #tpu.memory_space<vmem>>, vector<16xf32>,
      %get3A_51 = arith.index_cast %scan3A_13 : i32 to index
      %get3A_52 = arith.constant 80 : index
      %get3A_53 = tpu.vector_load %arg8[%get3A_51, %get3A_52] {strides = array<i32>} : memref<64x768xf32, #tpu.memory_space<vmem>>, vector<16xf32>,
      %mul3A_54 = arith.mulf %get3A_53, %gather3A : vector<16xf32>
      %swap3A_55 = arith.index_cast %scan3A_13 : i32 to index
      %swap3A_56 = arith.constant 80 : index
      %swap3A_57 = tpu.vector_load %arg8[%swap3A_55, %swap3A_56] {strides = array<i32>} : memref<64x768xf32, #tpu.memory_space<vmem>>, vector<16xf32>,
      tpu.vector_store %arg8[%swap3A_55, %swap3A_56], %mul3A_54 {strides = array<i32>} : memref<64x768xf32, #tpu.memory_space<vmem>>, vector<16xf32>,
      %get3A_58 = arith.index_cast %scan3A_13 : i32 to index
      %get3A_59 = arith.constant 96 : index
      %get3A_60 = tpu.vector_load %arg8[%get3A_58, %get3A_59] {strides = array<i32>} : memref<64x768xf32, #tpu.memory_space<vmem>>, vector<16xf32>,
      %mul3A_61 = arith.mulf %get3A_60, %gather3A : vector<16xf32>
      %swap3A_62 = arith.index_cast %scan3A_13 : i32 to index
      %swap3A_63 = arith.constant 96 : index
      %swap3A_64 = tpu.vector_load %arg8[%swap3A_62, %swap3A_63] {strides = array<i32>} : memref<64x768xf32, #tpu.memory_space<vmem>>, vector<16xf32>,
      tpu.vector_store %arg8[%swap3A_62, %swap3A_63], %mul3A_61 {strides = array<i32>} : memref<64x768xf32, #tpu.memory_space<vmem>>, vector<16xf32>,
      %get3A_65 = arith.index_cast %scan3A_13 : i32 to index
      %get3A_66 = arith.constant 112 : index
      %get3A_67 = tpu.vector_load %arg8[%get3A_65, %get3A_66] {strides = array<i32>} : memref<64x768xf32, #tpu.memory_space<vmem>>, vector<16xf32>,
      %mul3A_68 = arith.mulf %get3A_67, %gather3A : vector<16xf32>
      %swap3A_69 = arith.index_cast %scan3A_13 : i32 to index
      %swap3A_70 = arith.constant 112 : index
      %swap3A_71 = tpu.vector_load %arg8[%swap3A_69, %swap3A_70] {strides = array<i32>} : memref<64x768xf32, #tpu.memory_space<vmem>>, vector<16xf32>,
      tpu.vector_store %arg8[%swap3A_69, %swap3A_70], %mul3A_68 {strides = array<i32>} : memref<64x768xf32, #tpu.memory_space<vmem>>, vector<16xf32>,
      %get3A_72 = arith.index_cast %scan3A_13 : i32 to index
      %get3A_73 = arith.constant 128 : index
      %get3A_74 = tpu.vector_load %arg8[%get3A_72, %get3A_73] {strides = array<i32>} : memref<64x768xf32, #tpu.memory_space<vmem>>, vector<16xf32>,
      %mul3A_75 = arith.mulf %get3A_74, %gather3A : vector<16xf32>
      %swap3A_76 = arith.index_cast %scan3A_13 : i32 to index
      %swap3A_77 = arith.constant 128 : index
      %swap3A_78 = tpu.vector_load %arg8[%swap3A_76, %swap3A_77] {strides = array<i32>} : memref<64x768xf32, #tpu.memory_space<vmem>>, vector<16xf32>,
      tpu.vector_store %arg8[%swap3A_76, %swap3A_77], %mul3A_75 {strides = array<i32>} : memref<64x768xf32, #tpu.memory_space<vmem>>, vector<16xf32>,
      %get3A_79 = arith.index_cast %scan3A_13 : i32 to index
      %get3A_80 = arith.constant 144 : index
      %get3A_81 = tpu.vector_load %arg8[%get3A_79, %get3A_80] {strides = array<i32>} : memref<64x768xf32, #tpu.memory_space<vmem>>, vector<16xf32>,
      %mul3A_82 = arith.mulf %get3A_81, %gather3A : vector<16xf32>
      %swap3A_83 = arith.index_cast %scan3A_13 : i32 to index
      %swap3A_84 = arith.constant 144 : index
      %swap3A_85 = tpu.vector_load %arg8[%swap3A_83, %swap3A_84] {strides = array<i32>} : memref<64x768xf32, #tpu.memory_space<vmem>>, vector<16xf32>,
      tpu.vector_store %arg8[%swap3A_83, %swap3A_84], %mul3A_82 {strides = array<i32>} : memref<64x768xf32, #tpu.memory_space<vmem>>, vector<16xf32>,
      %get3A_86 = arith.index_cast %scan3A_13 : i32 to index
      %get3A_87 = arith.constant 160 : index
      %get3A_88 = tpu.vector_load %arg8[%get3A_86, %get3A_87] {strides = array<i32>} : memref<64x768xf32, #tpu.memory_space<vmem>>, vector<16xf32>,
      %mul3A_89 = arith.mulf %get3A_88, %gather3A : vector<16xf32>
      %swap3A_90 = arith.index_cast %scan3A_13 : i32 to index
      %swap3A_91 = arith.constant 160 : index
      %swap3A_92 = tpu.vector_load %arg8[%swap3A_90, %swap3A_91] {strides = array<i32>} : memref<64x768xf32, #tpu.memory_space<vmem>>, vector<16xf32>,
      tpu.vector_store %arg8[%swap3A_90, %swap3A_91], %mul3A_89 {strides = array<i32>} : memref<64x768xf32, #tpu.memory_space<vmem>>, vector<16xf32>,
      %get3A_93 = arith.index_cast %scan3A_13 : i32 to index
      %get3A_94 = arith.constant 176 : index
      %get3A_95 = tpu.vector_load %arg8[%get3A_93, %get3A_94] {strides = array<i32>} : memref<64x768xf32, #tpu.memory_space<vmem>>, vector<16xf32>,
      %mul3A_96 = arith.mulf %get3A_95, %gather3A : vector<16xf32>
      %swap3A_97 = arith.index_cast %scan3A_13 : i32 to index
      %swap3A_98 = arith.constant 176 : index
      %swap3A_99 = tpu.vector_load %arg8[%swap3A_97, %swap3A_98] {strides = array<i32>} : memref<64x768xf32, #tpu.memory_space<vmem>>, vector<16xf32>,
      tpu.vector_store %arg8[%swap3A_97, %swap3A_98], %mul3A_96 {strides = array<i32>} : memref<64x768xf32, #tpu.memory_space<vmem>>, vector<16xf32>,
      %get3A_100 = arith.index_cast %scan3A_13 : i32 to index
      %get3A_101 = arith.constant 192 : index
      %get3A_102 = tpu.vector_load %arg8[%get3A_100, %get3A_101] {strides = array<i32>} : memref<64x768xf32, #tpu.memory_space<vmem>>, vector<16xf32>,
      %mul3A_103 = arith.mulf %get3A_102, %gather3A : vector<16xf32>
      %swap3A_104 = arith.index_cast %scan3A_13 : i32 to index
      %swap3A_105 = arith.constant 192 : index
      %swap3A_106 = tpu.vector_load %arg8[%swap3A_104, %swap3A_105] {strides = array<i32>} : memref<64x768xf32, #tpu.memory_space<vmem>>, vector<16xf32>,
      tpu.vector_store %arg8[%swap3A_104, %swap3A_105], %mul3A_103 {strides = array<i32>} : memref<64x768xf32, #tpu.memory_space<vmem>>, vector<16xf32>,
      %get3A_107 = arith.index_cast %scan3A_13 : i32 to index
      %get3A_108 = arith.constant 208 : index
      %get3A_109 = tpu.vector_load %arg8[%get3A_107, %get3A_108] {strides = array<i32>} : memref<64x768xf32, #tpu.memory_space<vmem>>, vector<16xf32>,
      %mul3A_110 = arith.mulf %get3A_109, %gather3A : vector<16xf32>
      %swap3A_111 = arith.index_cast %scan3A_13 : i32 to index
      %swap3A_112 = arith.constant 208 : index
      %swap3A_113 = tpu.vector_load %arg8[%swap3A_111, %swap3A_112] {strides = array<i32>} : memref<64x768xf32, #tpu.memory_space<vmem>>, vector<16xf32>,
      tpu.vector_store %arg8[%swap3A_111, %swap3A_112], %mul3A_110 {strides = array<i32>} : memref<64x768xf32, #tpu.memory_space<vmem>>, vector<16xf32>,
      %get3A_114 = arith.index_cast %scan3A_13 : i32 to index
      %get3A_115 = arith.constant 224 : index
      %get3A_116 = tpu.vector_load %arg8[%get3A_114, %get3A_115] {strides = array<i32>} : memref<64x768xf32, #tpu.memory_space<vmem>>, vector<16xf32>,
      %mul3A_117 = arith.mulf %get3A_116, %gather3A : vector<16xf32>
      %swap3A_118 = arith.index_cast %scan3A_13 : i32 to index
      %swap3A_119 = arith.constant 224 : index
      %swap3A_120 = tpu.vector_load %arg8[%swap3A_118, %swap3A_119] {strides = array<i32>} : memref<64x768xf32, #tpu.memory_space<vmem>>, vector<16xf32>,
      tpu.vector_store %arg8[%swap3A_118, %swap3A_119], %mul3A_117 {strides = array<i32>} : memref<64x768xf32, #tpu.memory_space<vmem>>, vector<16xf32>,
      %get3A_121 = arith.index_cast %scan3A_13 : i32 to index
      %get3A_122 = arith.constant 240 : index
      %get3A_123 = tpu.vector_load %arg8[%get3A_121, %get3A_122] {strides = array<i32>} : memref<64x768xf32, #tpu.memory_space<vmem>>, vector<16xf32>,
      %mul3A_124 = arith.mulf %get3A_123, %gather3A : vector<16xf32>
      %swap3A_125 = arith.index_cast %scan3A_13 : i32 to index
      %swap3A_126 = arith.constant 240 : index
      %swap3A_127 = tpu.vector_load %arg8[%swap3A_125, %swap3A_126] {strides = array<i32>} : memref<64x768xf32, #tpu.memory_space<vmem>>, vector<16xf32>,
      tpu.vector_store %arg8[%swap3A_125, %swap3A_126], %mul3A_124 {strides = array<i32>} : memref<64x768xf32, #tpu.memory_space<vmem>>, vector<16xf32>,
      %get3A_128 = arith.index_cast %scan3A_13 : i32 to index
      %get3A_129 = arith.constant 256 : index
      %get3A_130 = tpu.vector_load %arg8[%get3A_128, %get3A_129] {strides = array<i32>} : memref<64x768xf32, #tpu.memory_space<vmem>>, vector<16xf32>,
      %mul3A_131 = arith.mulf %get3A_130, %gather3A : vector<16xf32>
      %swap3A_132 = arith.index_cast %scan3A_13 : i32 to index
      %swap3A_133 = arith.constant 256 : index
      %swap3A_134 = tpu.vector_load %arg8[%swap3A_132, %swap3A_133] {strides = array<i32>} : memref<64x768xf32, #tpu.memory_space<vmem>>, vector<16xf32>,
      tpu.vector_store %arg8[%swap3A_132, %swap3A_133], %mul3A_131 {strides = array<i32>} : memref<64x768xf32, #tpu.memory_space<vmem>>, vector<16xf32>,
      %get3A_135 = arith.index_cast %scan3A_13 : i32 to index
      %get3A_136 = arith.constant 272 : index
      %get3A_137 = tpu.vector_load %arg8[%get3A_135, %get3A_136] {strides = array<i32>} : memref<64x768xf32, #tpu.memory_space<vmem>>, vector<16xf32>,
      %mul3A_138 = arith.mulf %get3A_137, %gather3A : vector<16xf32>
      %swap3A_139 = arith.index_cast %scan3A_13 : i32 to index
      %swap3A_140 = arith.constant 272 : index
      %swap3A_141 = tpu.vector_load %arg8[%swap3A_139, %swap3A_140] {strides = array<i32>} : memref<64x768xf32, #tpu.memory_space<vmem>>, vector<16xf32>,
      tpu.vector_store %arg8[%swap3A_139, %swap3A_140], %mul3A_138 {strides = array<i32>} : memref<64x768xf32, #tpu.memory_space<vmem>>, vector<16xf32>,
      %get3A_142 = arith.index_cast %scan3A_13 : i32 to index
      %get3A_143 = arith.constant 288 : index
      %get3A_144 = tpu.vector_load %arg8[%get3A_142, %get3A_143] {strides = array<i32>} : memref<64x768xf32, #tpu.memory_space<vmem>>, vector<16xf32>,
      %mul3A_145 = arith.mulf %get3A_144, %gather3A : vector<16xf32>
      %swap3A_146 = arith.index_cast %scan3A_13 : i32 to index
      %swap3A_147 = arith.constant 288 : index
      %swap3A_148 = tpu.vector_load %arg8[%swap3A_146, %swap3A_147] {strides = array<i32>} : memref<64x768xf32, #tpu.memory_space<vmem>>, vector<16xf32>,
      tpu.vector_store %arg8[%swap3A_146, %swap3A_147], %mul3A_145 {strides = array<i32>} : memref<64x768xf32, #tpu.memory_space<vmem>>, vector<16xf32>,
      %get3A_149 = arith.index_cast %scan3A_13 : i32 to index
      %get3A_150 = arith.constant 304 : index
      %get3A_151 = tpu.vector_load %arg8[%get3A_149, %get3A_150] {strides = array<i32>} : memref<64x768xf32, #tpu.memory_space<vmem>>, vector<16xf32>,
      %mul3A_152 = arith.mulf %get3A_151, %gather3A : vector<16xf32>
      %swap3A_153 = arith.index_cast %scan3A_13 : i32 to index
      %swap3A_154 = arith.constant 304 : index
      %swap3A_155 = tpu.vector_load %arg8[%swap3A_153, %swap3A_154] {strides = array<i32>} : memref<64x768xf32, #tpu.memory_space<vmem>>, vector<16xf32>,
      tpu.vector_store %arg8[%swap3A_153, %swap3A_154], %mul3A_152 {strides = array<i32>} : memref<64x768xf32, #tpu.memory_space<vmem>>, vector<16xf32>,
      %get3A_156 = arith.index_cast %scan3A_13 : i32 to index
      %get3A_157 = arith.constant 320 : index
      %get3A_158 = tpu.vector_load %arg8[%get3A_156, %get3A_157] {strides = array<i32>} : memref<64x768xf32, #tpu.memory_space<vmem>>, vector<16xf32>,
      %mul3A_159 = arith.mulf %get3A_158, %gather3A : vector<16xf32>
      %swap3A_160 = arith.index_cast %scan3A_13 : i32 to index
      %swap3A_161 = arith.constant 320 : index
      %swap3A_162 = tpu.vector_load %arg8[%swap3A_160, %swap3A_161] {strides = array<i32>} : memref<64x768xf32, #tpu.memory_space<vmem>>, vector<16xf32>,
      tpu.vector_store %arg8[%swap3A_160, %swap3A_161], %mul3A_159 {strides = array<i32>} : memref<64x768xf32, #tpu.memory_space<vmem>>, vector<16xf32>,
      %get3A_163 = arith.index_cast %scan3A_13 : i32 to index
      %get3A_164 = arith.constant 336 : index
      %get3A_165 = tpu.vector_load %arg8[%get3A_163, %get3A_164] {strides = array<i32>} : memref<64x768xf32, #tpu.memory_space<vmem>>, vector<16xf32>,
      %mul3A_166 = arith.mulf %get3A_165, %gather3A : vector<16xf32>
      %swap3A_167 = arith.index_cast %scan3A_13 : i32 to index
      %swap3A_168 = arith.constant 336 : index
      %swap3A_169 = tpu.vector_load %arg8[%swap3A_167, %swap3A_168] {strides = array<i32>} : memref<64x768xf32, #tpu.memory_space<vmem>>, vector<16xf32>,
      tpu.vector_store %arg8[%swap3A_167, %swap3A_168], %mul3A_166 {strides = array<i32>} : memref<64x768xf32, #tpu.memory_space<vmem>>, vector<16xf32>,
      %get3A_170 = arith.index_cast %scan3A_13 : i32 to index
      %get3A_171 = arith.constant 352 : index
      %get3A_172 = tpu.vector_load %arg8[%get3A_170, %get3A_171] {strides = array<i32>} : memref<64x768xf32, #tpu.memory_space<vmem>>, vector<16xf32>,
      %mul3A_173 = arith.mulf %get3A_172, %gather3A : vector<16xf32>
      %swap3A_174 = arith.index_cast %scan3A_13 : i32 to index
      %swap3A_175 = arith.constant 352 : index
      %swap3A_176 = tpu.vector_load %arg8[%swap3A_174, %swap3A_175] {strides = array<i32>} : memref<64x768xf32, #tpu.memory_space<vmem>>, vector<16xf32>,
      tpu.vector_store %arg8[%swap3A_174, %swap3A_175], %mul3A_173 {strides = array<i32>} : memref<64x768xf32, #tpu.memory_space<vmem>>, vector<16xf32>,
      %get3A_177 = arith.index_cast %scan3A_13 : i32 to index
      %get3A_178 = arith.constant 368 : index
      %get3A_179 = tpu.vector_load %arg8[%get3A_177, %get3A_178] {strides = array<i32>} : memref<64x768xf32, #tpu.memory_space<vmem>>, vector<16xf32>,
      %mul3A_180 = arith.mulf %get3A_179, %gather3A : vector<16xf32>
      %swap3A_181 = arith.index_cast %scan3A_13 : i32 to index
      %swap3A_182 = arith.constant 368 : index
      %swap3A_183 = tpu.vector_load %arg8[%swap3A_181, %swap3A_182] {strides = array<i32>} : memref<64x768xf32, #tpu.memory_space<vmem>>, vector<16xf32>,
      tpu.vector_store %arg8[%swap3A_181, %swap3A_182], %mul3A_180 {strides = array<i32>} : memref<64x768xf32, #tpu.memory_space<vmem>>, vector<16xf32>,
      %get3A_184 = arith.index_cast %scan3A_13 : i32 to index
      %get3A_185 = arith.constant 384 : index
      %get3A_186 = tpu.vector_load %arg8[%get3A_184, %get3A_185] {strides = array<i32>} : memref<64x768xf32, #tpu.memory_space<vmem>>, vector<16xf32>,
      %mul3A_187 = arith.mulf %get3A_186, %gather3A : vector<16xf32>
      %swap3A_188 = arith.index_cast %scan3A_13 : i32 to index
      %swap3A_189 = arith.constant 384 : index
      %swap3A_190 = tpu.vector_load %arg8[%swap3A_188, %swap3A_189] {strides = array<i32>} : memref<64x768xf32, #tpu.memory_space<vmem>>, vector<16xf32>,
      tpu.vector_store %arg8[%swap3A_188, %swap3A_189], %mul3A_187 {strides = array<i32>} : memref<64x768xf32, #tpu.memory_space<vmem>>, vector<16xf32>,
      %get3A_191 = arith.index_cast %scan3A_13 : i32 to index
      %get3A_192 = arith.constant 400 : index
      %get3A_193 = tpu.vector_load %arg8[%get3A_191, %get3A_192] {strides = array<i32>} : memref<64x768xf32, #tpu.memory_space<vmem>>, vector<16xf32>,
      %mul3A_194 = arith.mulf %get3A_193, %gather3A : vector<16xf32>
      %swap3A_195 = arith.index_cast %scan3A_13 : i32 to index
      %swap3A_196 = arith.constant 400 : index
      %swap3A_197 = tpu.vector_load %arg8[%swap3A_195, %swap3A_196] {strides = array<i32>} : memref<64x768xf32, #tpu.memory_space<vmem>>, vector<16xf32>,
      tpu.vector_store %arg8[%swap3A_195, %swap3A_196], %mul3A_194 {strides = array<i32>} : memref<64x768xf32, #tpu.memory_space<vmem>>, vector<16xf32>,
      %get3A_198 = arith.index_cast %scan3A_13 : i32 to index
      %get3A_199 = arith.constant 416 : index
      %get3A_200 = tpu.vector_load %arg8[%get3A_198, %get3A_199] {strides = array<i32>} : memref<64x768xf32, #tpu.memory_space<vmem>>, vector<16xf32>,
      %mul3A_201 = arith.mulf %get3A_200, %gather3A : vector<16xf32>
      %swap3A_202 = arith.index_cast %scan3A_13 : i32 to index
      %swap3A_203 = arith.constant 416 : index
      %swap3A_204 = tpu.vector_load %arg8[%swap3A_202, %swap3A_203] {strides = array<i32>} : memref<64x768xf32, #tpu.memory_space<vmem>>, vector<16xf32>,
      tpu.vector_store %arg8[%swap3A_202, %swap3A_203], %mul3A_201 {strides = array<i32>} : memref<64x768xf32, #tpu.memory_space<vmem>>, vector<16xf32>,
      %get3A_205 = arith.index_cast %scan3A_13 : i32 to index
      %get3A_206 = arith.constant 432 : index
      %get3A_207 = tpu.vector_load %arg8[%get3A_205, %get3A_206] {strides = array<i32>} : memref<64x768xf32, #tpu.memory_space<vmem>>, vector<16xf32>,
      %mul3A_208 = arith.mulf %get3A_207, %gather3A : vector<16xf32>
      %swap3A_209 = arith.index_cast %scan3A_13 : i32 to index
      %swap3A_210 = arith.constant 432 : index
      %swap3A_211 = tpu.vector_load %arg8[%swap3A_209, %swap3A_210] {strides = array<i32>} : memref<64x768xf32, #tpu.memory_space<vmem>>, vector<16xf32>,
      tpu.vector_store %arg8[%swap3A_209, %swap3A_210], %mul3A_208 {strides = array<i32>} : memref<64x768xf32, #tpu.memory_space<vmem>>, vector<16xf32>,
      %get3A_212 = arith.index_cast %scan3A_13 : i32 to index
      %get3A_213 = arith.constant 448 : index
      %get3A_214 = tpu.vector_load %arg8[%get3A_212, %get3A_213] {strides = array<i32>} : memref<64x768xf32, #tpu.memory_space<vmem>>, vector<16xf32>,
      %mul3A_215 = arith.mulf %get3A_214, %gather3A : vector<16xf32>
      %swap3A_216 = arith.index_cast %scan3A_13 : i32 to index
      %swap3A_217 = arith.constant 448 : index
      %swap3A_218 = tpu.vector_load %arg8[%swap3A_216, %swap3A_217] {strides = array<i32>} : memref<64x768xf32, #tpu.memory_space<vmem>>, vector<16xf32>,
      tpu.vector_store %arg8[%swap3A_216, %swap3A_217], %mul3A_215 {strides = array<i32>} : memref<64x768xf32, #tpu.memory_space<vmem>>, vector<16xf32>,
      %get3A_219 = arith.index_cast %scan3A_13 : i32 to index
      %get3A_220 = arith.constant 464 : index
      %get3A_221 = tpu.vector_load %arg8[%get3A_219, %get3A_220] {strides = array<i32>} : memref<64x768xf32, #tpu.memory_space<vmem>>, vector<16xf32>,
      %mul3A_222 = arith.mulf %get3A_221, %gather3A : vector<16xf32>
      %swap3A_223 = arith.index_cast %scan3A_13 : i32 to index
      %swap3A_224 = arith.constant 464 : index
      %swap3A_225 = tpu.vector_load %arg8[%swap3A_223, %swap3A_224] {strides = array<i32>} : memref<64x768xf32, #tpu.memory_space<vmem>>, vector<16xf32>,
      tpu.vector_store %arg8[%swap3A_223, %swap3A_224], %mul3A_222 {strides = array<i32>} : memref<64x768xf32, #tpu.memory_space<vmem>>, vector<16xf32>,
      %get3A_226 = arith.index_cast %scan3A_13 : i32 to index
      %get3A_227 = arith.constant 480 : index
      %get3A_228 = tpu.vector_load %arg8[%get3A_226, %get3A_227] {strides = array<i32>} : memref<64x768xf32, #tpu.memory_space<vmem>>, vector<16xf32>,
      %mul3A_229 = arith.mulf %get3A_228, %gather3A : vector<16xf32>
      %swap3A_230 = arith.index_cast %scan3A_13 : i32 to index
      %swap3A_231 = arith.constant 480 : index
      %swap3A_232 = tpu.vector_load %arg8[%swap3A_230, %swap3A_231] {strides = array<i32>} : memref<64x768xf32, #tpu.memory_space<vmem>>, vector<16xf32>,
      tpu.vector_store %arg8[%swap3A_230, %swap3A_231], %mul3A_229 {strides = array<i32>} : memref<64x768xf32, #tpu.memory_space<vmem>>, vector<16xf32>,
      %get3A_233 = arith.index_cast %scan3A_13 : i32 to index
      %get3A_234 = arith.constant 496 : index
      %get3A_235 = tpu.vector_load %arg8[%get3A_233, %get3A_234] {strides = array<i32>} : memref<64x768xf32, #tpu.memory_space<vmem>>, vector<16xf32>,
      %mul3A_236 = arith.mulf %get3A_235, %gather3A : vector<16xf32>
      %swap3A_237 = arith.index_cast %scan3A_13 : i32 to index
      %swap3A_238 = arith.constant 496 : index
      %swap3A_239 = tpu.vector_load %arg8[%swap3A_237, %swap3A_238] {strides = array<i32>} : memref<64x768xf32, #tpu.memory_space<vmem>>, vector<16xf32>,
      tpu.vector_store %arg8[%swap3A_237, %swap3A_238], %mul3A_236 {strides = array<i32>} : memref<64x768xf32, #tpu.memory_space<vmem>>, vector<16xf32>,
      %get3A_240 = arith.index_cast %scan3A_13 : i32 to index
      %get3A_241 = arith.constant 512 : index
      %get3A_242 = tpu.vector_load %arg8[%get3A_240, %get3A_241] {strides = array<i32>} : memref<64x768xf32, #tpu.memory_space<vmem>>, vector<16xf32>,
      %mul3A_243 = arith.mulf %get3A_242, %gather3A : vector<16xf32>
      %swap3A_244 = arith.index_cast %scan3A_13 : i32 to index
      %swap3A_245 = arith.constant 512 : index
      %swap3A_246 = tpu.vector_load %arg8[%swap3A_244, %swap3A_245] {strides = array<i32>} : memref<64x768xf32, #tpu.memory_space<vmem>>, vector<16xf32>,
      tpu.vector_store %arg8[%swap3A_244, %swap3A_245], %mul3A_243 {strides = array<i32>} : memref<64x768xf32, #tpu.memory_space<vmem>>, vector<16xf32>,
      %get3A_247 = arith.index_cast %scan3A_13 : i32 to index
      %get3A_248 = arith.constant 528 : index
      %get3A_249 = tpu.vector_load %arg8[%get3A_247, %get3A_248] {strides = array<i32>} : memref<64x768xf32, #tpu.memory_space<vmem>>, vector<16xf32>,
      %mul3A_250 = arith.mulf %get3A_249, %gather3A : vector<16xf32>
      %swap3A_251 = arith.index_cast %scan3A_13 : i32 to index
      %swap3A_252 = arith.constant 528 : index
      %swap3A_253 = tpu.vector_load %arg8[%swap3A_251, %swap3A_252] {strides = array<i32>} : memref<64x768xf32, #tpu.memory_space<vmem>>, vector<16xf32>,
      tpu.vector_store %arg8[%swap3A_251, %swap3A_252], %mul3A_250 {strides = array<i32>} : memref<64x768xf32, #tpu.memory_space<vmem>>, vector<16xf32>,
      %get3A_254 = arith.index_cast %scan3A_13 : i32 to index
      %get3A_255 = arith.constant 544 : index
      %get3A_256 = tpu.vector_load %arg8[%get3A_254, %get3A_255] {strides = array<i32>} : memref<64x768xf32, #tpu.memory_space<vmem>>, vector<16xf32>,
      %mul3A_257 = arith.mulf %get3A_256, %gather3A : vector<16xf32>
      %swap3A_258 = arith.index_cast %scan3A_13 : i32 to index
      %swap3A_259 = arith.constant 544 : index
      %swap3A_260 = tpu.vector_load %arg8[%swap3A_258, %swap3A_259] {strides = array<i32>} : memref<64x768xf32, #tpu.memory_space<vmem>>, vector<16xf32>,
      tpu.vector_store %arg8[%swap3A_258, %swap3A_259], %mul3A_257 {strides = array<i32>} : memref<64x768xf32, #tpu.memory_space<vmem>>, vector<16xf32>,
      %get3A_261 = arith.index_cast %scan3A_13 : i32 to index
      %get3A_262 = arith.constant 560 : index
      %get3A_263 = tpu.vector_load %arg8[%get3A_261, %get3A_262] {strides = array<i32>} : memref<64x768xf32, #tpu.memory_space<vmem>>, vector<16xf32>,
      %mul3A_264 = arith.mulf %get3A_263, %gather3A : vector<16xf32>
      %swap3A_265 = arith.index_cast %scan3A_13 : i32 to index
      %swap3A_266 = arith.constant 560 : index
      %swap3A_267 = tpu.vector_load %arg8[%swap3A_265, %swap3A_266] {strides = array<i32>} : memref<64x768xf32, #tpu.memory_space<vmem>>, vector<16xf32>,
      tpu.vector_store %arg8[%swap3A_265, %swap3A_266], %mul3A_264 {strides = array<i32>} : memref<64x768xf32, #tpu.memory_space<vmem>>, vector<16xf32>,
      %get3A_268 = arith.index_cast %scan3A_13 : i32 to index
      %get3A_269 = arith.constant 576 : index
      %get3A_270 = tpu.vector_load %arg8[%get3A_268, %get3A_269] {strides = array<i32>} : memref<64x768xf32, #tpu.memory_space<vmem>>, vector<16xf32>,
      %mul3A_271 = arith.mulf %get3A_270, %gather3A : vector<16xf32>
      %swap3A_272 = arith.index_cast %scan3A_13 : i32 to index
      %swap3A_273 = arith.constant 576 : index
      %swap3A_274 = tpu.vector_load %arg8[%swap3A_272, %swap3A_273] {strides = array<i32>} : memref<64x768xf32, #tpu.memory_space<vmem>>, vector<16xf32>,
      tpu.vector_store %arg8[%swap3A_272, %swap3A_273], %mul3A_271 {strides = array<i32>} : memref<64x768xf32, #tpu.memory_space<vmem>>, vector<16xf32>,
      %get3A_275 = arith.index_cast %scan3A_13 : i32 to index
      %get3A_276 = arith.constant 592 : index
      %get3A_277 = tpu.vector_load %arg8[%get3A_275, %get3A_276] {strides = array<i32>} : memref<64x768xf32, #tpu.memory_space<vmem>>, vector<16xf32>,
      %mul3A_278 = arith.mulf %get3A_277, %gather3A : vector<16xf32>
      %swap3A_279 = arith.index_cast %scan3A_13 : i32 to index
      %swap3A_280 = arith.constant 592 : index
      %swap3A_281 = tpu.vector_load %arg8[%swap3A_279, %swap3A_280] {strides = array<i32>} : memref<64x768xf32, #tpu.memory_space<vmem>>, vector<16xf32>,
      tpu.vector_store %arg8[%swap3A_279, %swap3A_280], %mul3A_278 {strides = array<i32>} : memref<64x768xf32, #tpu.memory_space<vmem>>, vector<16xf32>,
      %get3A_282 = arith.index_cast %scan3A_13 : i32 to index
      %get3A_283 = arith.constant 608 : index
      %get3A_284 = tpu.vector_load %arg8[%get3A_282, %get3A_283] {strides = array<i32>} : memref<64x768xf32, #tpu.memory_space<vmem>>, vector<16xf32>,
      %mul3A_285 = arith.mulf %get3A_284, %gather3A : vector<16xf32>
      %swap3A_286 = arith.index_cast %scan3A_13 : i32 to index
      %swap3A_287 = arith.constant 608 : index
      %swap3A_288 = tpu.vector_load %arg8[%swap3A_286, %swap3A_287] {strides = array<i32>} : memref<64x768xf32, #tpu.memory_space<vmem>>, vector<16xf32>,
      tpu.vector_store %arg8[%swap3A_286, %swap3A_287], %mul3A_285 {strides = array<i32>} : memref<64x768xf32, #tpu.memory_space<vmem>>, vector<16xf32>,
      %get3A_289 = arith.index_cast %scan3A_13 : i32 to index
      %get3A_290 = arith.constant 624 : index
      %get3A_291 = tpu.vector_load %arg8[%get3A_289, %get3A_290] {strides = array<i32>} : memref<64x768xf32, #tpu.memory_space<vmem>>, vector<16xf32>,
      %mul3A_292 = arith.mulf %get3A_291, %gather3A : vector<16xf32>
      %swap3A_293 = arith.index_cast %scan3A_13 : i32 to index
      %swap3A_294 = arith.constant 624 : index
      %swap3A_295 = tpu.vector_load %arg8[%swap3A_293, %swap3A_294] {strides = array<i32>} : memref<64x768xf32, #tpu.memory_space<vmem>>, vector<16xf32>,
      tpu.vector_store %arg8[%swap3A_293, %swap3A_294], %mul3A_292 {strides = array<i32>} : memref<64x768xf32, #tpu.memory_space<vmem>>, vector<16xf32>,
      %get3A_296 = arith.index_cast %scan3A_13 : i32 to index
      %get3A_297 = arith.constant 640 : index
      %get3A_298 = tpu.vector_load %arg8[%get3A_296, %get3A_297] {strides = array<i32>} : memref<64x768xf32, #tpu.memory_space<vmem>>, vector<16xf32>,
      %mul3A_299 = arith.mulf %get3A_298, %gather3A : vector<16xf32>
      %swap3A_300 = arith.index_cast %scan3A_13 : i32 to index
      %swap3A_301 = arith.constant 640 : index
      %swap3A_302 = tpu.vector_load %arg8[%swap3A_300, %swap3A_301] {strides = array<i32>} : memref<64x768xf32, #tpu.memory_space<vmem>>, vector<16xf32>,
      tpu.vector_store %arg8[%swap3A_300, %swap3A_301], %mul3A_299 {strides = array<i32>} : memref<64x768xf32, #tpu.memory_space<vmem>>, vector<16xf32>,
      %get3A_303 = arith.index_cast %scan3A_13 : i32 to index
      %get3A_304 = arith.constant 656 : index
      %get3A_305 = tpu.vector_load %arg8[%get3A_303, %get3A_304] {strides = array<i32>} : memref<64x768xf32, #tpu.memory_space<vmem>>, vector<16xf32>,
      %mul3A_306 = arith.mulf %get3A_305, %gather3A : vector<16xf32>
      %swap3A_307 = arith.index_cast %scan3A_13 : i32 to index
      %swap3A_308 = arith.constant 656 : index
      %swap3A_309 = tpu.vector_load %arg8[%swap3A_307, %swap3A_308] {strides = array<i32>} : memref<64x768xf32, #tpu.memory_space<vmem>>, vector<16xf32>,
      tpu.vector_store %arg8[%swap3A_307, %swap3A_308], %mul3A_306 {strides = array<i32>} : memref<64x768xf32, #tpu.memory_space<vmem>>, vector<16xf32>,
      %get3A_310 = arith.index_cast %scan3A_13 : i32 to index
      %get3A_311 = arith.constant 672 : index
      %get3A_312 = tpu.vector_load %arg8[%get3A_310, %get3A_311] {strides = array<i32>} : memref<64x768xf32, #tpu.memory_space<vmem>>, vector<16xf32>,
      %mul3A_313 = arith.mulf %get3A_312, %gather3A : vector<16xf32>
      %swap3A_314 = arith.index_cast %scan3A_13 : i32 to index
      %swap3A_315 = arith.constant 672 : index
      %swap3A_316 = tpu.vector_load %arg8[%swap3A_314, %swap3A_315] {strides = array<i32>} : memref<64x768xf32, #tpu.memory_space<vmem>>, vector<16xf32>,
      tpu.vector_store %arg8[%swap3A_314, %swap3A_315], %mul3A_313 {strides = array<i32>} : memref<64x768xf32, #tpu.memory_space<vmem>>, vector<16xf32>,
      %get3A_317 = arith.index_cast %scan3A_13 : i32 to index
      %get3A_318 = arith.constant 688 : index
      %get3A_319 = tpu.vector_load %arg8[%get3A_317, %get3A_318] {strides = array<i32>} : memref<64x768xf32, #tpu.memory_space<vmem>>, vector<16xf32>,
      %mul3A_320 = arith.mulf %get3A_319, %gather3A : vector<16xf32>
      %swap3A_321 = arith.index_cast %scan3A_13 : i32 to index
      %swap3A_322 = arith.constant 688 : index
      %swap3A_323 = tpu.vector_load %arg8[%swap3A_321, %swap3A_322] {strides = array<i32>} : memref<64x768xf32, #tpu.memory_space<vmem>>, vector<16xf32>,
      tpu.vector_store %arg8[%swap3A_321, %swap3A_322], %mul3A_320 {strides = array<i32>} : memref<64x768xf32, #tpu.memory_space<vmem>>, vector<16xf32>,
      %get3A_324 = arith.index_cast %scan3A_13 : i32 to index
      %get3A_325 = arith.constant 704 : index
      %get3A_326 = tpu.vector_load %arg8[%get3A_324, %get3A_325] {strides = array<i32>} : memref<64x768xf32, #tpu.memory_space<vmem>>, vector<16xf32>,
      %mul3A_327 = arith.mulf %get3A_326, %gather3A : vector<16xf32>
      %swap3A_328 = arith.index_cast %scan3A_13 : i32 to index
      %swap3A_329 = arith.constant 704 : index
      %swap3A_330 = tpu.vector_load %arg8[%swap3A_328, %swap3A_329] {strides = array<i32>} : memref<64x768xf32, #tpu.memory_space<vmem>>, vector<16xf32>,
      tpu.vector_store %arg8[%swap3A_328, %swap3A_329], %mul3A_327 {strides = array<i32>} : memref<64x768xf32, #tpu.memory_space<vmem>>, vector<16xf32>,
      %get3A_331 = arith.index_cast %scan3A_13 : i32 to index
      %get3A_332 = arith.constant 720 : index
      %get3A_333 = tpu.vector_load %arg8[%get3A_331, %get3A_332] {strides = array<i32>} : memref<64x768xf32, #tpu.memory_space<vmem>>, vector<16xf32>,
      %mul3A_334 = arith.mulf %get3A_333, %gather3A : vector<16xf32>
      %swap3A_335 = arith.index_cast %scan3A_13 : i32 to index
      %swap3A_336 = arith.constant 720 : index
      %swap3A_337 = tpu.vector_load %arg8[%swap3A_335, %swap3A_336] {strides = array<i32>} : memref<64x768xf32, #tpu.memory_space<vmem>>, vector<16xf32>,
      tpu.vector_store %arg8[%swap3A_335, %swap3A_336], %mul3A_334 {strides = array<i32>} : memref<64x768xf32, #tpu.memory_space<vmem>>, vector<16xf32>,
      %get3A_338 = arith.index_cast %scan3A_13 : i32 to index
      %get3A_339 = arith.constant 736 : index
      %get3A_340 = tpu.vector_load %arg8[%get3A_338, %get3A_339] {strides = array<i32>} : memref<64x768xf32, #tpu.memory_space<vmem>>, vector<16xf32>,
      %mul3A_341 = arith.mulf %get3A_340, %gather3A : vector<16xf32>
      %swap3A_342 = arith.index_cast %scan3A_13 : i32 to index
      %swap3A_343 = arith.constant 736 : index
      %swap3A_344 = tpu.vector_load %arg8[%swap3A_342, %swap3A_343] {strides = array<i32>} : memref<64x768xf32, #tpu.memory_space<vmem>>, vector<16xf32>,
      tpu.vector_store %arg8[%swap3A_342, %swap3A_343], %mul3A_341 {strides = array<i32>} : memref<64x768xf32, #tpu.memory_space<vmem>>, vector<16xf32>,
      %get3A_345 = arith.index_cast %scan3A_13 : i32 to index
      %get3A_346 = arith.constant 752 : index
      %get3A_347 = tpu.vector_load %arg8[%get3A_345, %get3A_346] {strides = array<i32>} : memref<64x768xf32, #tpu.memory_space<vmem>>, vector<16xf32>,
      %mul3A_348 = arith.mulf %get3A_347, %gather3A : vector<16xf32>
      %swap3A_349 = arith.index_cast %scan3A_13 : i32 to index
      %swap3A_350 = arith.constant 752 : index
      %swap3A_351 = tpu.vector_load %arg8[%swap3A_349, %swap3A_350] {strides = array<i32>} : memref<64x768xf32, #tpu.memory_space<vmem>>, vector<16xf32>,
      tpu.vector_store %arg8[%swap3A_349, %swap3A_350], %mul3A_348 {strides = array<i32>} : memref<64x768xf32, #tpu.memory_space<vmem>>, vector<16xf32>,
      %scan3A_352 = arith.constant 0 : i32
      scf.yield %scan3A_352 : i32
    }
    %scan3A_12 = arith.constant 64 : i32
    "tpu.region"() ({
      %run_scoped3A = tpu.sem_alloc : memref<!tpu.dma_semaphore, #tpu.memory_space<semaphore_mem>>
      %dma_start3A_13 = arith.constant 0 : i32
      %dma_start3A_14 = tpu.memref_slice %arg5[%mul3A_2, %dma_start3A_13] : memref<2048x768xf32, #tpu.memory_space<hbm>> -> memref<64x768xf32, #tpu.memory_space<hbm>>
      %dma_start3A_15 = arith.constant 0 : i32
      %dma_start3A_16 = tpu.memref_slice %arg5[%mul3A_2, %dma_start3A_15] : memref<2048x768xf32, #tpu.memory_space<hbm>> -> memref<64x768xf32, #tpu.memory_space<hbm>>
      tpu.enqueue_dma source(%arg8 : memref<64x768xf32, #tpu.memory_space<vmem>>) target(%dma_start3A_16 : memref<64x768xf32, #tpu.memory_space<hbm>>) target_semaphore(%run_scoped3A : memref<!tpu.dma_semaphore, #tpu.memory_space<semaphore_mem>>)
      %dma_wait3A_17 = arith.constant 0 : i32
      %dma_wait3A_18 = tpu.memref_slice %arg5[%mul3A_2, %dma_wait3A_17] : memref<2048x768xf32, #tpu.memory_space<hbm>> -> memref<64x768xf32, #tpu.memory_space<hbm>>
      %dma_wait3A_19 = arith.constant 0 : i32
      %dma_wait3A_20 = tpu.memref_slice %arg5[%mul3A_2, %dma_wait3A_19] : memref<2048x768xf32, #tpu.memory_space<hbm>> -> memref<64x768xf32, #tpu.memory_space<hbm>>
      tpu.wait_dma2 semaphore(%run_scoped3A : memref<!tpu.dma_semaphore, #tpu.memory_space<semaphore_mem>>) src(%arg8 : memref<64x768xf32, #tpu.memory_space<vmem>>) dst(%dma_wait3A_20 : memref<64x768xf32, #tpu.memory_space<hbm>>)
      tpu.yield
    }) : () -> ()
    return
  }
}

#map = affine_map<(d0, d1) -> (0, 0)>
#map1 = affine_map<(d0, d1) -> (0)>
module attributes {stable_mosaic.version = 14 : i64} {
  func.func @_route_dispatch(%arg0: i32, %arg1: i32, %arg2: memref<8x2048xf32, #tpu.memory_space<hbm>>, %arg3: memref<2048x768xf32, #tpu.memory_space<hbm>>, %arg4: memref<4096x768xf32, #tpu.memory_space<hbm>>, %arg5: memref<2048xi32, #tpu.memory_space<hbm>>, %arg6: memref<2048xf32, #tpu.memory_space<hbm>>, %arg7: memref<16xi32, #tpu.memory_space<hbm>>, %arg8: memref<8x2048xf32, #tpu.memory_space<vmem>>, %arg9: memref<4096xi32, #tpu.memory_space<vmem>>, %arg10: memref<2048xi32, #tpu.memory_space<vmem>>, %arg11: memref<2048xf32, #tpu.memory_space<vmem>>, %arg12: memref<16xi32, #tpu.memory_space<vmem>>, %arg13: memref<4096xi32, #tpu.memory_space<vmem_shared>>, %arg14: memref<128xi32, #tpu.memory_space<vmem>>, %arg15: memref<128x768xf32, #tpu.memory_space<vmem>>, %arg16: memref<!tpu.dma_semaphore, #tpu.memory_space<semaphore_mem>>) attributes {dimension_semantics = [#tpu.dimension_semantics<core_parallel>, #tpu.dimension_semantics<subcore_parallel>], iteration_bounds = array<i64: 2, 16>, scalar_prefetch = 0 : i64, scratch_operands = 9 : i64, tpu.core_type = #tpu.core_type<sc_vector_subcore>, window_params = [{transform_indices = #map}, {transform_indices = #map}, {transform_indices = #map}, {transform_indices = #map1}, {transform_indices = #map1}, {transform_indices = #map1}]} {
    %mul3A = arith.constant 2 : i32
    %mul3A_0 = arith.muli %arg1, %mul3A : i32
    %add3A = arith.addi %mul3A_0, %arg0 : i32
    %eq3A = arith.constant 0 : i32
    %eq3A_1 = arith.cmpi eq, %arg1, %eq3A : i32
    %convert_element_type3A = arith.extui %eq3A_1 : i1 to i32
    %cond3A = arith.constant 0 : i32
    %cond3A_2 = arith.cmpi ne, %convert_element_type3A, %cond3A : i32
    scf.if %cond3A_2 {
      "tpu.region"() ({
        %run_scoped3A = tpu.sem_alloc : memref<!tpu.dma_semaphore, #tpu.memory_space<semaphore_mem>>
        tpu.enqueue_dma source(%arg2 : memref<8x2048xf32, #tpu.memory_space<hbm>>) target(%arg8 : memref<8x2048xf32, #tpu.memory_space<vmem>>) target_semaphore(%run_scoped3A : memref<!tpu.dma_semaphore, #tpu.memory_space<semaphore_mem>>)
        tpu.wait_dma2 semaphore(%run_scoped3A : memref<!tpu.dma_semaphore, #tpu.memory_space<semaphore_mem>>) src(%arg2 : memref<8x2048xf32, #tpu.memory_space<hbm>>) dst(%arg8 : memref<8x2048xf32, #tpu.memory_space<vmem>>)
        tpu.yield
      }) : () -> ()
      %scan3A = arith.constant 0 : i32
      %scan3A_9 = arith.constant 0 : i32
      %scan3A_10 = arith.constant 256 : i32
      %scan3A_11 = arith.addi %scan3A_9, %scan3A_10 : i32
      %scan3A_12 = arith.constant 1 : i32
      %scan3A_13 = scf.for %scan3A_34 = %scan3A_9 to %scan3A_11 step %scan3A_12 iter_args(%scan3A_35 = %scan3A) -> (i32)  : i32 {
        %mul3A_36 = arith.constant 16 : i32
        %mul3A_37 = arith.muli %scan3A_34, %mul3A_36 : i32
        %iota3A = tpu.iota {dimensions = array<i32: 0>} : vector<16xi32>
        %add3A_38 = vector.broadcast %mul3A_37 : i32 to vector<16xi32>
        %add3A_39 = arith.addi %add3A_38, %iota3A : vector<16xi32>
        %and3A = arith.constant 2047 : i32
        %and3A_40 = vector.broadcast %and3A : i32 to vector<16xi32>
        %and3A_41 = arith.andi %add3A_39, %and3A_40 : vector<16xi32>
        %swap3A = arith.index_cast %mul3A_37 : i32 to index
        %swap3A_42 = tpu.vector_load %arg9[%swap3A] {strides = array<i32>} : memref<4096xi32, #tpu.memory_space<vmem>>, vector<16xi32>,
        tpu.vector_store %arg9[%swap3A], %and3A_41 {strides = array<i32>} : memref<4096xi32, #tpu.memory_space<vmem>>, vector<16xi32>,
        %scan3A_43 = arith.constant 0 : i32
        scf.yield %scan3A_43 : i32
      }
      %scan3A_14 = arith.constant 256 : i32
      %scan3A_15 = arith.constant 0 : i32
      %scan3A_16 = arith.constant 0 : i32
      %scan3A_17 = arith.constant 0 : i32
      %scan3A_18 = arith.constant 0 : i32
      %scan3A_19 = arith.constant 0 : i32
      %scan3A_20 = arith.constant 0 : i32
      %scan3A_21 = arith.constant 0 : i32
      %scan3A_22 = arith.constant 0 : i32
      %scan3A_23 = arith.constant 0 : i32
      %scan3A_24 = arith.constant 128 : i32
      %scan3A_25 = arith.addi %scan3A_23, %scan3A_24 : i32
      %scan3A_26 = arith.constant 1 : i32
      %scan3A_27:8 = scf.for %scan3A_34 = %scan3A_23 to %scan3A_25 step %scan3A_26 iter_args(%scan3A_35 = %scan3A_15, %scan3A_36 = %scan3A_16, %scan3A_37 = %scan3A_17, %scan3A_38 = %scan3A_18, %scan3A_39 = %scan3A_19, %scan3A_40 = %scan3A_20, %scan3A_41 = %scan3A_21, %scan3A_42 = %scan3A_22) -> (i32, i32, i32, i32, i32, i32, i32, i32)  : i32 {
        %mul3A_43 = arith.constant 16 : i32
        %mul3A_44 = arith.muli %scan3A_34, %mul3A_43 : i32
        %get3A = arith.constant 0 : i32
        %get3A_45 = arith.index_cast %get3A : i32 to index
        %get3A_46 = arith.index_cast %mul3A_44 : i32 to index
        %get3A_47 = tpu.vector_load %arg8[%get3A_45, %get3A_46] {strides = array<i32>} : memref<8x2048xf32, #tpu.memory_space<vmem>>, vector<16xf32>,
        %mul3A_48 = arith.constant 16 : i32
        %mul3A_49 = arith.muli %scan3A_34, %mul3A_48 : i32
        %get3A_50 = arith.constant 1 : i32
        %get3A_51 = arith.index_cast %get3A_50 : i32 to index
        %get3A_52 = arith.index_cast %mul3A_49 : i32 to index
        %get3A_53 = tpu.vector_load %arg8[%get3A_51, %get3A_52] {strides = array<i32>} : memref<8x2048xf32, #tpu.memory_space<vmem>>, vector<16xf32>,
        %mul3A_54 = arith.constant 16 : i32
        %mul3A_55 = arith.muli %scan3A_34, %mul3A_54 : i32
        %get3A_56 = arith.constant 2 : i32
        %get3A_57 = arith.index_cast %get3A_56 : i32 to index
        %get3A_58 = arith.index_cast %mul3A_55 : i32 to index
        %get3A_59 = tpu.vector_load %arg8[%get3A_57, %get3A_58] {strides = array<i32>} : memref<8x2048xf32, #tpu.memory_space<vmem>>, vector<16xf32>,
        %mul3A_60 = arith.constant 16 : i32
        %mul3A_61 = arith.muli %scan3A_34, %mul3A_60 : i32
        %get3A_62 = arith.constant 3 : i32
        %get3A_63 = arith.index_cast %get3A_62 : i32 to index
        %get3A_64 = arith.index_cast %mul3A_61 : i32 to index
        %get3A_65 = tpu.vector_load %arg8[%get3A_63, %get3A_64] {strides = array<i32>} : memref<8x2048xf32, #tpu.memory_space<vmem>>, vector<16xf32>,
        %mul3A_66 = arith.constant 16 : i32
        %mul3A_67 = arith.muli %scan3A_34, %mul3A_66 : i32
        %get3A_68 = arith.constant 4 : i32
        %get3A_69 = arith.index_cast %get3A_68 : i32 to index
        %get3A_70 = arith.index_cast %mul3A_67 : i32 to index
        %get3A_71 = tpu.vector_load %arg8[%get3A_69, %get3A_70] {strides = array<i32>} : memref<8x2048xf32, #tpu.memory_space<vmem>>, vector<16xf32>,
        %mul3A_72 = arith.constant 16 : i32
        %mul3A_73 = arith.muli %scan3A_34, %mul3A_72 : i32
        %get3A_74 = arith.constant 5 : i32
        %get3A_75 = arith.index_cast %get3A_74 : i32 to index
        %get3A_76 = arith.index_cast %mul3A_73 : i32 to index
        %get3A_77 = tpu.vector_load %arg8[%get3A_75, %get3A_76] {strides = array<i32>} : memref<8x2048xf32, #tpu.memory_space<vmem>>, vector<16xf32>,
        %mul3A_78 = arith.constant 16 : i32
        %mul3A_79 = arith.muli %scan3A_34, %mul3A_78 : i32
        %get3A_80 = arith.constant 6 : i32
        %get3A_81 = arith.index_cast %get3A_80 : i32 to index
        %get3A_82 = arith.index_cast %mul3A_79 : i32 to index
        %get3A_83 = tpu.vector_load %arg8[%get3A_81, %get3A_82] {strides = array<i32>} : memref<8x2048xf32, #tpu.memory_space<vmem>>, vector<16xf32>,
        %mul3A_84 = arith.constant 16 : i32
        %mul3A_85 = arith.muli %scan3A_34, %mul3A_84 : i32
        %get3A_86 = arith.constant 7 : i32
        %get3A_87 = arith.index_cast %get3A_86 : i32 to index
        %get3A_88 = arith.index_cast %mul3A_85 : i32 to index
        %get3A_89 = tpu.vector_load %arg8[%get3A_87, %get3A_88] {strides = array<i32>} : memref<8x2048xf32, #tpu.memory_space<vmem>>, vector<16xf32>,
        %max3A = arith.maximumf %get3A_47, %get3A_53 : vector<16xf32>
        %max3A_90 = arith.maximumf %max3A, %get3A_59 : vector<16xf32>
        %max3A_91 = arith.maximumf %max3A_90, %get3A_65 : vector<16xf32>
        %max3A_92 = arith.maximumf %max3A_91, %get3A_71 : vector<16xf32>
        %max3A_93 = arith.maximumf %max3A_92, %get3A_77 : vector<16xf32>
        %max3A_94 = arith.maximumf %max3A_93, %get3A_83 : vector<16xf32>
        %max3A_95 = arith.maximumf %max3A_94, %get3A_89 : vector<16xf32>
        %broadcast_in_dim3A = arith.constant 7 : i32
        %broadcast_in_dim3A_96 = vector.broadcast %broadcast_in_dim3A : i32 to vector<16xi32>
        %eq3A_97 = arith.cmpf oeq, %get3A_83, %max3A_95 : vector<16xf32>
        %jit3A = arith.constant 6 : i32
        %broadcast_in_dim3A_98 = vector.broadcast %jit3A : i32 to vector<16xi32>
        %select_n3A = arith.select %eq3A_97, %broadcast_in_dim3A_98, %broadcast_in_dim3A_96 : vector<16xi1>, vector<16xi32>
        %eq3A_99 = arith.cmpf oeq, %get3A_77, %max3A_95 : vector<16xf32>
        %jit3A_100 = arith.constant 5 : i32
        %broadcast_in_dim3A_101 = vector.broadcast %jit3A_100 : i32 to vector<16xi32>
        %select_n3A_102 = arith.select %eq3A_99, %broadcast_in_dim3A_101, %select_n3A : vector<16xi1>, vector<16xi32>
        %eq3A_103 = arith.cmpf oeq, %get3A_71, %max3A_95 : vector<16xf32>
        %jit3A_104 = arith.constant 4 : i32
        %broadcast_in_dim3A_105 = vector.broadcast %jit3A_104 : i32 to vector<16xi32>
        %select_n3A_106 = arith.select %eq3A_103, %broadcast_in_dim3A_105, %select_n3A_102 : vector<16xi1>, vector<16xi32>
        %eq3A_107 = arith.cmpf oeq, %get3A_65, %max3A_95 : vector<16xf32>
        %jit3A_108 = arith.constant 3 : i32
        %broadcast_in_dim3A_109 = vector.broadcast %jit3A_108 : i32 to vector<16xi32>
        %select_n3A_110 = arith.select %eq3A_107, %broadcast_in_dim3A_109, %select_n3A_106 : vector<16xi1>, vector<16xi32>
        %eq3A_111 = arith.cmpf oeq, %get3A_59, %max3A_95 : vector<16xf32>
        %jit3A_112 = arith.constant 2 : i32
        %broadcast_in_dim3A_113 = vector.broadcast %jit3A_112 : i32 to vector<16xi32>
        %select_n3A_114 = arith.select %eq3A_111, %broadcast_in_dim3A_113, %select_n3A_110 : vector<16xi1>, vector<16xi32>
        %eq3A_115 = arith.cmpf oeq, %get3A_53, %max3A_95 : vector<16xf32>
        %jit3A_116 = arith.constant 1 : i32
        %broadcast_in_dim3A_117 = vector.broadcast %jit3A_116 : i32 to vector<16xi32>
        %select_n3A_118 = arith.select %eq3A_115, %broadcast_in_dim3A_117, %select_n3A_114 : vector<16xi1>, vector<16xi32>
        %eq3A_119 = arith.cmpf oeq, %get3A_47, %max3A_95 : vector<16xf32>
        %jit3A_120 = arith.constant 0 : i32
        %broadcast_in_dim3A_121 = vector.broadcast %jit3A_120 : i32 to vector<16xi32>
        %select_n3A_122 = arith.select %eq3A_119, %broadcast_in_dim3A_121, %select_n3A_118 : vector<16xi1>, vector<16xi32>
        %broadcast_in_dim3A_123 = arith.constant 0.000000e+00 : f32
        %broadcast_in_dim3A_124 = vector.broadcast %broadcast_in_dim3A_123 : f32 to vector<16xf32>
        %sub3A = arith.subf %get3A_47, %max3A_95 : vector<16xf32>
        %exp3A = math.exp %sub3A : vector<16xf32>
        %add3A_125 = arith.addf %broadcast_in_dim3A_124, %exp3A : vector<16xf32>
        %sub3A_126 = arith.subf %get3A_53, %max3A_95 : vector<16xf32>
        %exp3A_127 = math.exp %sub3A_126 : vector<16xf32>
        %add3A_128 = arith.addf %add3A_125, %exp3A_127 : vector<16xf32>
        %sub3A_129 = arith.subf %get3A_59, %max3A_95 : vector<16xf32>
        %exp3A_130 = math.exp %sub3A_129 : vector<16xf32>
        %add3A_131 = arith.addf %add3A_128, %exp3A_130 : vector<16xf32>
        %sub3A_132 = arith.subf %get3A_65, %max3A_95 : vector<16xf32>
        %exp3A_133 = math.exp %sub3A_132 : vector<16xf32>
        %add3A_134 = arith.addf %add3A_131, %exp3A_133 : vector<16xf32>
        %sub3A_135 = arith.subf %get3A_71, %max3A_95 : vector<16xf32>
        %exp3A_136 = math.exp %sub3A_135 : vector<16xf32>
        %add3A_137 = arith.addf %add3A_134, %exp3A_136 : vector<16xf32>
        %sub3A_138 = arith.subf %get3A_77, %max3A_95 : vector<16xf32>
        %exp3A_139 = math.exp %sub3A_138 : vector<16xf32>
        %add3A_140 = arith.addf %add3A_137, %exp3A_139 : vector<16xf32>
        %sub3A_141 = arith.subf %get3A_83, %max3A_95 : vector<16xf32>
        %exp3A_142 = math.exp %sub3A_141 : vector<16xf32>
        %add3A_143 = arith.addf %add3A_140, %exp3A_142 : vector<16xf32>
        %sub3A_144 = arith.subf %get3A_89, %max3A_95 : vector<16xf32>
        %exp3A_145 = math.exp %sub3A_144 : vector<16xf32>
        %add3A_146 = arith.addf %add3A_143, %exp3A_145 : vector<16xf32>
        %div3A = arith.constant 1.000000e+00 : f32
        %div3A_147 = vector.broadcast %div3A : f32 to vector<16xf32>
        %div3A_148 = arith.divf %div3A_147, %add3A_146 : vector<16xf32>
        %broadcast_in_dim3A_149 = arith.constant 0 : i32
        %broadcast_in_dim3A_150 = vector.broadcast %broadcast_in_dim3A_149 : i32 to vector<16xi32>
        %eq3A_151 = arith.constant 0 : i32
        %eq3A_152 = vector.broadcast %eq3A_151 : i32 to vector<16xi32>
        %eq3A_153 = arith.cmpi eq, %select_n3A_122, %eq3A_152 : vector<16xi32>
        %jit3A_154 = arith.constant 1 : i32
        %jit3A_155 = arith.constant 0 : i32
        %broadcast_in_dim3A_156 = vector.broadcast %jit3A_154 : i32 to vector<16xi32>
        %broadcast_in_dim3A_157 = vector.broadcast %jit3A_155 : i32 to vector<16xi32>
        %select_n3A_158 = arith.select %eq3A_153, %broadcast_in_dim3A_156, %broadcast_in_dim3A_157 : vector<16xi1>, vector<16xi32>
        %broadcast_in_dim3A_159 = arith.constant true
        %broadcast_in_dim3A_160 = vector.broadcast %broadcast_in_dim3A_159 : i1 to vector<16xi1>
        %masked_cumsum3A = tpu.scan <sum>, %select_n3A_158 masked %broadcast_in_dim3A_160 : vector<16xi32>, vector<16xi1> -> vector<16xi32>
        %sub3A_161 = arith.constant 1 : i32
        %sub3A_162 = vector.broadcast %sub3A_161 : i32 to vector<16xi32>
        %sub3A_163 = arith.subi %masked_cumsum3A, %sub3A_162 : vector<16xi32>
        %add3A_164 = vector.broadcast %scan3A_35 : i32 to vector<16xi32>
        %add3A_165 = arith.addi %sub3A_163, %add3A_164 : vector<16xi32>
        %select_n3A_166 = arith.select %eq3A_153, %add3A_165, %broadcast_in_dim3A_150 : vector<16xi1>, vector<16xi32>
        %reduce_sum3A = arith.constant true
        %reduce_sum3A_167 = vector.broadcast %reduce_sum3A : i1 to vector<16xi1>
        %reduce_sum3A_168 = tpu.scan <sum>, %select_n3A_158 masked %reduce_sum3A_167 : vector<16xi32>, vector<16xi1> -> vector<16xi32>
        %reduce_sum3A_169 = vector.extract %reduce_sum3A_168[15] : i32 from vector<16xi32>
        %add3A_170 = arith.addi %scan3A_35, %reduce_sum3A_169 : i32
        %eq3A_171 = arith.constant 1 : i32
        %eq3A_172 = vector.broadcast %eq3A_171 : i32 to vector<16xi32>
        %eq3A_173 = arith.cmpi eq, %select_n3A_122, %eq3A_172 : vector<16xi32>
        %jit3A_174 = arith.constant 1 : i32
        %jit3A_175 = arith.constant 0 : i32
        %broadcast_in_dim3A_176 = vector.broadcast %jit3A_174 : i32 to vector<16xi32>
        %broadcast_in_dim3A_177 = vector.broadcast %jit3A_175 : i32 to vector<16xi32>
        %select_n3A_178 = arith.select %eq3A_173, %broadcast_in_dim3A_176, %broadcast_in_dim3A_177 : vector<16xi1>, vector<16xi32>
        %broadcast_in_dim3A_179 = arith.constant true
        %broadcast_in_dim3A_180 = vector.broadcast %broadcast_in_dim3A_179 : i1 to vector<16xi1>
        %masked_cumsum3A_181 = tpu.scan <sum>, %select_n3A_178 masked %broadcast_in_dim3A_180 : vector<16xi32>, vector<16xi1> -> vector<16xi32>
        %sub3A_182 = arith.constant 1 : i32
        %sub3A_183 = vector.broadcast %sub3A_182 : i32 to vector<16xi32>
        %sub3A_184 = arith.subi %masked_cumsum3A_181, %sub3A_183 : vector<16xi32>
        %add3A_185 = vector.broadcast %scan3A_36 : i32 to vector<16xi32>
        %add3A_186 = arith.addi %sub3A_184, %add3A_185 : vector<16xi32>
        %select_n3A_187 = arith.select %eq3A_173, %add3A_186, %select_n3A_166 : vector<16xi1>, vector<16xi32>
        %reduce_sum3A_188 = arith.constant true
        %reduce_sum3A_189 = vector.broadcast %reduce_sum3A_188 : i1 to vector<16xi1>
        %reduce_sum3A_190 = tpu.scan <sum>, %select_n3A_178 masked %reduce_sum3A_189 : vector<16xi32>, vector<16xi1> -> vector<16xi32>
        %reduce_sum3A_191 = vector.extract %reduce_sum3A_190[15] : i32 from vector<16xi32>
        %add3A_192 = arith.addi %scan3A_36, %reduce_sum3A_191 : i32
        %eq3A_193 = arith.constant 2 : i32
        %eq3A_194 = vector.broadcast %eq3A_193 : i32 to vector<16xi32>
        %eq3A_195 = arith.cmpi eq, %select_n3A_122, %eq3A_194 : vector<16xi32>
        %jit3A_196 = arith.constant 1 : i32
        %jit3A_197 = arith.constant 0 : i32
        %broadcast_in_dim3A_198 = vector.broadcast %jit3A_196 : i32 to vector<16xi32>
        %broadcast_in_dim3A_199 = vector.broadcast %jit3A_197 : i32 to vector<16xi32>
        %select_n3A_200 = arith.select %eq3A_195, %broadcast_in_dim3A_198, %broadcast_in_dim3A_199 : vector<16xi1>, vector<16xi32>
        %broadcast_in_dim3A_201 = arith.constant true
        %broadcast_in_dim3A_202 = vector.broadcast %broadcast_in_dim3A_201 : i1 to vector<16xi1>
        %masked_cumsum3A_203 = tpu.scan <sum>, %select_n3A_200 masked %broadcast_in_dim3A_202 : vector<16xi32>, vector<16xi1> -> vector<16xi32>
        %sub3A_204 = arith.constant 1 : i32
        %sub3A_205 = vector.broadcast %sub3A_204 : i32 to vector<16xi32>
        %sub3A_206 = arith.subi %masked_cumsum3A_203, %sub3A_205 : vector<16xi32>
        %add3A_207 = vector.broadcast %scan3A_37 : i32 to vector<16xi32>
        %add3A_208 = arith.addi %sub3A_206, %add3A_207 : vector<16xi32>
        %select_n3A_209 = arith.select %eq3A_195, %add3A_208, %select_n3A_187 : vector<16xi1>, vector<16xi32>
        %reduce_sum3A_210 = arith.constant true
        %reduce_sum3A_211 = vector.broadcast %reduce_sum3A_210 : i1 to vector<16xi1>
        %reduce_sum3A_212 = tpu.scan <sum>, %select_n3A_200 masked %reduce_sum3A_211 : vector<16xi32>, vector<16xi1> -> vector<16xi32>
        %reduce_sum3A_213 = vector.extract %reduce_sum3A_212[15] : i32 from vector<16xi32>
        %add3A_214 = arith.addi %scan3A_37, %reduce_sum3A_213 : i32
        %eq3A_215 = arith.constant 3 : i32
        %eq3A_216 = vector.broadcast %eq3A_215 : i32 to vector<16xi32>
        %eq3A_217 = arith.cmpi eq, %select_n3A_122, %eq3A_216 : vector<16xi32>
        %jit3A_218 = arith.constant 1 : i32
        %jit3A_219 = arith.constant 0 : i32
        %broadcast_in_dim3A_220 = vector.broadcast %jit3A_218 : i32 to vector<16xi32>
        %broadcast_in_dim3A_221 = vector.broadcast %jit3A_219 : i32 to vector<16xi32>
        %select_n3A_222 = arith.select %eq3A_217, %broadcast_in_dim3A_220, %broadcast_in_dim3A_221 : vector<16xi1>, vector<16xi32>
        %broadcast_in_dim3A_223 = arith.constant true
        %broadcast_in_dim3A_224 = vector.broadcast %broadcast_in_dim3A_223 : i1 to vector<16xi1>
        %masked_cumsum3A_225 = tpu.scan <sum>, %select_n3A_222 masked %broadcast_in_dim3A_224 : vector<16xi32>, vector<16xi1> -> vector<16xi32>
        %sub3A_226 = arith.constant 1 : i32
        %sub3A_227 = vector.broadcast %sub3A_226 : i32 to vector<16xi32>
        %sub3A_228 = arith.subi %masked_cumsum3A_225, %sub3A_227 : vector<16xi32>
        %add3A_229 = vector.broadcast %scan3A_38 : i32 to vector<16xi32>
        %add3A_230 = arith.addi %sub3A_228, %add3A_229 : vector<16xi32>
        %select_n3A_231 = arith.select %eq3A_217, %add3A_230, %select_n3A_209 : vector<16xi1>, vector<16xi32>
        %reduce_sum3A_232 = arith.constant true
        %reduce_sum3A_233 = vector.broadcast %reduce_sum3A_232 : i1 to vector<16xi1>
        %reduce_sum3A_234 = tpu.scan <sum>, %select_n3A_222 masked %reduce_sum3A_233 : vector<16xi32>, vector<16xi1> -> vector<16xi32>
        %reduce_sum3A_235 = vector.extract %reduce_sum3A_234[15] : i32 from vector<16xi32>
        %add3A_236 = arith.addi %scan3A_38, %reduce_sum3A_235 : i32
        %eq3A_237 = arith.constant 4 : i32
        %eq3A_238 = vector.broadcast %eq3A_237 : i32 to vector<16xi32>
        %eq3A_239 = arith.cmpi eq, %select_n3A_122, %eq3A_238 : vector<16xi32>
        %jit3A_240 = arith.constant 1 : i32
        %jit3A_241 = arith.constant 0 : i32
        %broadcast_in_dim3A_242 = vector.broadcast %jit3A_240 : i32 to vector<16xi32>
        %broadcast_in_dim3A_243 = vector.broadcast %jit3A_241 : i32 to vector<16xi32>
        %select_n3A_244 = arith.select %eq3A_239, %broadcast_in_dim3A_242, %broadcast_in_dim3A_243 : vector<16xi1>, vector<16xi32>
        %broadcast_in_dim3A_245 = arith.constant true
        %broadcast_in_dim3A_246 = vector.broadcast %broadcast_in_dim3A_245 : i1 to vector<16xi1>
        %masked_cumsum3A_247 = tpu.scan <sum>, %select_n3A_244 masked %broadcast_in_dim3A_246 : vector<16xi32>, vector<16xi1> -> vector<16xi32>
        %sub3A_248 = arith.constant 1 : i32
        %sub3A_249 = vector.broadcast %sub3A_248 : i32 to vector<16xi32>
        %sub3A_250 = arith.subi %masked_cumsum3A_247, %sub3A_249 : vector<16xi32>
        %add3A_251 = vector.broadcast %scan3A_39 : i32 to vector<16xi32>
        %add3A_252 = arith.addi %sub3A_250, %add3A_251 : vector<16xi32>
        %select_n3A_253 = arith.select %eq3A_239, %add3A_252, %select_n3A_231 : vector<16xi1>, vector<16xi32>
        %reduce_sum3A_254 = arith.constant true
        %reduce_sum3A_255 = vector.broadcast %reduce_sum3A_254 : i1 to vector<16xi1>
        %reduce_sum3A_256 = tpu.scan <sum>, %select_n3A_244 masked %reduce_sum3A_255 : vector<16xi32>, vector<16xi1> -> vector<16xi32>
        %reduce_sum3A_257 = vector.extract %reduce_sum3A_256[15] : i32 from vector<16xi32>
        %add3A_258 = arith.addi %scan3A_39, %reduce_sum3A_257 : i32
        %eq3A_259 = arith.constant 5 : i32
        %eq3A_260 = vector.broadcast %eq3A_259 : i32 to vector<16xi32>
        %eq3A_261 = arith.cmpi eq, %select_n3A_122, %eq3A_260 : vector<16xi32>
        %jit3A_262 = arith.constant 1 : i32
        %jit3A_263 = arith.constant 0 : i32
        %broadcast_in_dim3A_264 = vector.broadcast %jit3A_262 : i32 to vector<16xi32>
        %broadcast_in_dim3A_265 = vector.broadcast %jit3A_263 : i32 to vector<16xi32>
        %select_n3A_266 = arith.select %eq3A_261, %broadcast_in_dim3A_264, %broadcast_in_dim3A_265 : vector<16xi1>, vector<16xi32>
        %broadcast_in_dim3A_267 = arith.constant true
        %broadcast_in_dim3A_268 = vector.broadcast %broadcast_in_dim3A_267 : i1 to vector<16xi1>
        %masked_cumsum3A_269 = tpu.scan <sum>, %select_n3A_266 masked %broadcast_in_dim3A_268 : vector<16xi32>, vector<16xi1> -> vector<16xi32>
        %sub3A_270 = arith.constant 1 : i32
        %sub3A_271 = vector.broadcast %sub3A_270 : i32 to vector<16xi32>
        %sub3A_272 = arith.subi %masked_cumsum3A_269, %sub3A_271 : vector<16xi32>
        %add3A_273 = vector.broadcast %scan3A_40 : i32 to vector<16xi32>
        %add3A_274 = arith.addi %sub3A_272, %add3A_273 : vector<16xi32>
        %select_n3A_275 = arith.select %eq3A_261, %add3A_274, %select_n3A_253 : vector<16xi1>, vector<16xi32>
        %reduce_sum3A_276 = arith.constant true
        %reduce_sum3A_277 = vector.broadcast %reduce_sum3A_276 : i1 to vector<16xi1>
        %reduce_sum3A_278 = tpu.scan <sum>, %select_n3A_266 masked %reduce_sum3A_277 : vector<16xi32>, vector<16xi1> -> vector<16xi32>
        %reduce_sum3A_279 = vector.extract %reduce_sum3A_278[15] : i32 from vector<16xi32>
        %add3A_280 = arith.addi %scan3A_40, %reduce_sum3A_279 : i32
        %eq3A_281 = arith.constant 6 : i32
        %eq3A_282 = vector.broadcast %eq3A_281 : i32 to vector<16xi32>
        %eq3A_283 = arith.cmpi eq, %select_n3A_122, %eq3A_282 : vector<16xi32>
        %jit3A_284 = arith.constant 1 : i32
        %jit3A_285 = arith.constant 0 : i32
        %broadcast_in_dim3A_286 = vector.broadcast %jit3A_284 : i32 to vector<16xi32>
        %broadcast_in_dim3A_287 = vector.broadcast %jit3A_285 : i32 to vector<16xi32>
        %select_n3A_288 = arith.select %eq3A_283, %broadcast_in_dim3A_286, %broadcast_in_dim3A_287 : vector<16xi1>, vector<16xi32>
        %broadcast_in_dim3A_289 = arith.constant true
        %broadcast_in_dim3A_290 = vector.broadcast %broadcast_in_dim3A_289 : i1 to vector<16xi1>
        %masked_cumsum3A_291 = tpu.scan <sum>, %select_n3A_288 masked %broadcast_in_dim3A_290 : vector<16xi32>, vector<16xi1> -> vector<16xi32>
        %sub3A_292 = arith.constant 1 : i32
        %sub3A_293 = vector.broadcast %sub3A_292 : i32 to vector<16xi32>
        %sub3A_294 = arith.subi %masked_cumsum3A_291, %sub3A_293 : vector<16xi32>
        %add3A_295 = vector.broadcast %scan3A_41 : i32 to vector<16xi32>
        %add3A_296 = arith.addi %sub3A_294, %add3A_295 : vector<16xi32>
        %select_n3A_297 = arith.select %eq3A_283, %add3A_296, %select_n3A_275 : vector<16xi1>, vector<16xi32>
        %reduce_sum3A_298 = arith.constant true
        %reduce_sum3A_299 = vector.broadcast %reduce_sum3A_298 : i1 to vector<16xi1>
        %reduce_sum3A_300 = tpu.scan <sum>, %select_n3A_288 masked %reduce_sum3A_299 : vector<16xi32>, vector<16xi1> -> vector<16xi32>
        %reduce_sum3A_301 = vector.extract %reduce_sum3A_300[15] : i32 from vector<16xi32>
        %add3A_302 = arith.addi %scan3A_41, %reduce_sum3A_301 : i32
        %eq3A_303 = arith.constant 7 : i32
        %eq3A_304 = vector.broadcast %eq3A_303 : i32 to vector<16xi32>
        %eq3A_305 = arith.cmpi eq, %select_n3A_122, %eq3A_304 : vector<16xi32>
        %jit3A_306 = arith.constant 1 : i32
        %jit3A_307 = arith.constant 0 : i32
        %broadcast_in_dim3A_308 = vector.broadcast %jit3A_306 : i32 to vector<16xi32>
        %broadcast_in_dim3A_309 = vector.broadcast %jit3A_307 : i32 to vector<16xi32>
        %select_n3A_310 = arith.select %eq3A_305, %broadcast_in_dim3A_308, %broadcast_in_dim3A_309 : vector<16xi1>, vector<16xi32>
        %broadcast_in_dim3A_311 = arith.constant true
        %broadcast_in_dim3A_312 = vector.broadcast %broadcast_in_dim3A_311 : i1 to vector<16xi1>
        %masked_cumsum3A_313 = tpu.scan <sum>, %select_n3A_310 masked %broadcast_in_dim3A_312 : vector<16xi32>, vector<16xi1> -> vector<16xi32>
        %sub3A_314 = arith.constant 1 : i32
        %sub3A_315 = vector.broadcast %sub3A_314 : i32 to vector<16xi32>
        %sub3A_316 = arith.subi %masked_cumsum3A_313, %sub3A_315 : vector<16xi32>
        %add3A_317 = vector.broadcast %scan3A_42 : i32 to vector<16xi32>
        %add3A_318 = arith.addi %sub3A_316, %add3A_317 : vector<16xi32>
        %select_n3A_319 = arith.select %eq3A_305, %add3A_318, %select_n3A_297 : vector<16xi1>, vector<16xi32>
        %reduce_sum3A_320 = arith.constant true
        %reduce_sum3A_321 = vector.broadcast %reduce_sum3A_320 : i1 to vector<16xi1>
        %reduce_sum3A_322 = tpu.scan <sum>, %select_n3A_310 masked %reduce_sum3A_321 : vector<16xi32>, vector<16xi1> -> vector<16xi32>
        %reduce_sum3A_323 = vector.extract %reduce_sum3A_322[15] : i32 from vector<16xi32>
        %add3A_324 = arith.addi %scan3A_42, %reduce_sum3A_323 : i32
        %lt3A = arith.constant 512 : i32
        %lt3A_325 = vector.broadcast %lt3A : i32 to vector<16xi32>
        %lt3A_326 = arith.cmpi slt, %select_n3A_319, %lt3A_325 : vector<16xi32>
        %mul3A_327 = arith.constant 16 : i32
        %mul3A_328 = arith.muli %scan3A_34, %mul3A_327 : i32
        %iota3A = tpu.iota {dimensions = array<i32: 0>} : vector<16xi32>
        %add3A_329 = vector.broadcast %mul3A_328 : i32 to vector<16xi32>
        %add3A_330 = arith.addi %add3A_329, %iota3A : vector<16xi32>
        %mul3A_331 = arith.constant 512 : i32
        %mul3A_332 = vector.broadcast %mul3A_331 : i32 to vector<16xi32>
        %mul3A_333 = arith.muli %select_n3A_122, %mul3A_332 : vector<16xi32>
        %add3A_334 = arith.addi %mul3A_333, %select_n3A_319 : vector<16xi32>
        %jit3A_335 = arith.constant 0 : i32
        %broadcast_in_dim3A_336 = vector.broadcast %jit3A_335 : i32 to vector<16xi32>
        %select_n3A_337 = arith.select %lt3A_326, %add3A_334, %broadcast_in_dim3A_336 : vector<16xi1>, vector<16xi32>
        %mul3A_338 = arith.constant 16 : i32
        %mul3A_339 = arith.muli %scan3A_34, %mul3A_338 : i32
        %swap3A = arith.index_cast %mul3A_339 : i32 to index
        %swap3A_340 = tpu.vector_load %arg10[%swap3A] {strides = array<i32>} : memref<2048xi32, #tpu.memory_space<vmem>>, vector<16xi32>,
        tpu.vector_store %arg10[%swap3A], %select_n3A_337 {strides = array<i32>} : memref<2048xi32, #tpu.memory_space<vmem>>, vector<16xi32>,
        %jit3A_341 = arith.constant 0.000000e+00 : f32
        %broadcast_in_dim3A_342 = vector.broadcast %jit3A_341 : f32 to vector<16xf32>
        %select_n3A_343 = arith.select %lt3A_326, %div3A_148, %broadcast_in_dim3A_342 : vector<16xi1>, vector<16xf32>
        %mul3A_344 = arith.constant 16 : i32
        %mul3A_345 = arith.muli %scan3A_34, %mul3A_344 : i32
        %swap3A_346 = arith.index_cast %mul3A_345 : i32 to index
        %swap3A_347 = tpu.vector_load %arg11[%swap3A_346] {strides = array<i32>} : memref<2048xf32, #tpu.memory_space<vmem>>, vector<16xf32>,
        tpu.vector_store %arg11[%swap3A_346], %select_n3A_343 {strides = array<i32>} : memref<2048xf32, #tpu.memory_space<vmem>>, vector<16xf32>,
        tpu.vector_store_idx %arg9[%select_n3A_337], %add3A_330 masked %lt3A_326 : memref<4096xi32, #tpu.memory_space<vmem>>[vector<16xi32>], vector<16xi32>, vector<16xi1>
        scf.yield %add3A_170, %add3A_192, %add3A_214, %add3A_236, %add3A_258, %add3A_280, %add3A_302, %add3A_324 : i32, i32, i32, i32, i32, i32, i32, i32
      }
      %scan3A_28 = arith.constant 128 : i32
      "tpu.region"() ({
        %run_scoped3A = tpu.sem_alloc : memref<!tpu.dma_semaphore, #tpu.memory_space<semaphore_mem>>
        tpu.enqueue_dma source(%arg9 : memref<4096xi32, #tpu.memory_space<vmem>>) target(%arg13 : memref<4096xi32, #tpu.memory_space<vmem_shared>>) target_semaphore(%run_scoped3A : memref<!tpu.dma_semaphore, #tpu.memory_space<semaphore_mem>>)
        tpu.wait_dma2 semaphore(%run_scoped3A : memref<!tpu.dma_semaphore, #tpu.memory_space<semaphore_mem>>) src(%arg9 : memref<4096xi32, #tpu.memory_space<vmem>>) dst(%arg13 : memref<4096xi32, #tpu.memory_space<vmem_shared>>)
        tpu.yield
      }) : () -> ()
      %eq3A_29 = arith.constant 0 : i32
      %eq3A_30 = arith.cmpi eq, %arg0, %eq3A_29 : i32
      %convert_element_type3A_31 = arith.extui %eq3A_30 : i1 to i32
      %cond3A_32 = arith.constant 0 : i32
      %cond3A_33 = arith.cmpi ne, %convert_element_type3A_31, %cond3A_32 : i32
      scf.if %cond3A_33 {
        %broadcast_in_dim3A = arith.constant 0 : i32
        %broadcast_in_dim3A_34 = vector.broadcast %broadcast_in_dim3A : i32 to vector<16xi32>
        %iota3A = tpu.iota {dimensions = array<i32: 0>} : vector<16xi32>
        %eq3A_35 = arith.constant 0 : i32
        %eq3A_36 = vector.broadcast %eq3A_35 : i32 to vector<16xi32>
        %eq3A_37 = arith.cmpi eq, %iota3A, %eq3A_36 : vector<16xi32>
        %min3A = arith.constant 512 : i32
        %min3A_38 = arith.minsi %scan3A_27#0, %min3A : i32
        %broadcast_in_dim3A_39 = vector.broadcast %min3A_38 : i32 to vector<16xi32>
        %select_n3A = arith.select %eq3A_37, %broadcast_in_dim3A_39, %broadcast_in_dim3A_34 : vector<16xi1>, vector<16xi32>
        %eq3A_40 = arith.constant 1 : i32
        %eq3A_41 = vector.broadcast %eq3A_40 : i32 to vector<16xi32>
        %eq3A_42 = arith.cmpi eq, %iota3A, %eq3A_41 : vector<16xi32>
        %min3A_43 = arith.constant 512 : i32
        %min3A_44 = arith.minsi %scan3A_27#1, %min3A_43 : i32
        %broadcast_in_dim3A_45 = vector.broadcast %min3A_44 : i32 to vector<16xi32>
        %select_n3A_46 = arith.select %eq3A_42, %broadcast_in_dim3A_45, %select_n3A : vector<16xi1>, vector<16xi32>
        %eq3A_47 = arith.constant 2 : i32
        %eq3A_48 = vector.broadcast %eq3A_47 : i32 to vector<16xi32>
        %eq3A_49 = arith.cmpi eq, %iota3A, %eq3A_48 : vector<16xi32>
        %min3A_50 = arith.constant 512 : i32
        %min3A_51 = arith.minsi %scan3A_27#2, %min3A_50 : i32
        %broadcast_in_dim3A_52 = vector.broadcast %min3A_51 : i32 to vector<16xi32>
        %select_n3A_53 = arith.select %eq3A_49, %broadcast_in_dim3A_52, %select_n3A_46 : vector<16xi1>, vector<16xi32>
        %eq3A_54 = arith.constant 3 : i32
        %eq3A_55 = vector.broadcast %eq3A_54 : i32 to vector<16xi32>
        %eq3A_56 = arith.cmpi eq, %iota3A, %eq3A_55 : vector<16xi32>
        %min3A_57 = arith.constant 512 : i32
        %min3A_58 = arith.minsi %scan3A_27#3, %min3A_57 : i32
        %broadcast_in_dim3A_59 = vector.broadcast %min3A_58 : i32 to vector<16xi32>
        %select_n3A_60 = arith.select %eq3A_56, %broadcast_in_dim3A_59, %select_n3A_53 : vector<16xi1>, vector<16xi32>
        %eq3A_61 = arith.constant 4 : i32
        %eq3A_62 = vector.broadcast %eq3A_61 : i32 to vector<16xi32>
        %eq3A_63 = arith.cmpi eq, %iota3A, %eq3A_62 : vector<16xi32>
        %min3A_64 = arith.constant 512 : i32
        %min3A_65 = arith.minsi %scan3A_27#4, %min3A_64 : i32
        %broadcast_in_dim3A_66 = vector.broadcast %min3A_65 : i32 to vector<16xi32>
        %select_n3A_67 = arith.select %eq3A_63, %broadcast_in_dim3A_66, %select_n3A_60 : vector<16xi1>, vector<16xi32>
        %eq3A_68 = arith.constant 5 : i32
        %eq3A_69 = vector.broadcast %eq3A_68 : i32 to vector<16xi32>
        %eq3A_70 = arith.cmpi eq, %iota3A, %eq3A_69 : vector<16xi32>
        %min3A_71 = arith.constant 512 : i32
        %min3A_72 = arith.minsi %scan3A_27#5, %min3A_71 : i32
        %broadcast_in_dim3A_73 = vector.broadcast %min3A_72 : i32 to vector<16xi32>
        %select_n3A_74 = arith.select %eq3A_70, %broadcast_in_dim3A_73, %select_n3A_67 : vector<16xi1>, vector<16xi32>
        %eq3A_75 = arith.constant 6 : i32
        %eq3A_76 = vector.broadcast %eq3A_75 : i32 to vector<16xi32>
        %eq3A_77 = arith.cmpi eq, %iota3A, %eq3A_76 : vector<16xi32>
        %min3A_78 = arith.constant 512 : i32
        %min3A_79 = arith.minsi %scan3A_27#6, %min3A_78 : i32
        %broadcast_in_dim3A_80 = vector.broadcast %min3A_79 : i32 to vector<16xi32>
        %select_n3A_81 = arith.select %eq3A_77, %broadcast_in_dim3A_80, %select_n3A_74 : vector<16xi1>, vector<16xi32>
        %eq3A_82 = arith.constant 7 : i32
        %eq3A_83 = vector.broadcast %eq3A_82 : i32 to vector<16xi32>
        %eq3A_84 = arith.cmpi eq, %iota3A, %eq3A_83 : vector<16xi32>
        %min3A_85 = arith.constant 512 : i32
        %min3A_86 = arith.minsi %scan3A_27#7, %min3A_85 : i32
        %broadcast_in_dim3A_87 = vector.broadcast %min3A_86 : i32 to vector<16xi32>
        %select_n3A_88 = arith.select %eq3A_84, %broadcast_in_dim3A_87, %select_n3A_81 : vector<16xi1>, vector<16xi32>
        %swap3A = arith.constant 0 : index
        %swap3A_89 = tpu.vector_load %arg12[%swap3A] {strides = array<i32>} : memref<16xi32, #tpu.memory_space<vmem>>, vector<16xi32>,
        tpu.vector_store %arg12[%swap3A], %select_n3A_88 {strides = array<i32>} : memref<16xi32, #tpu.memory_space<vmem>>, vector<16xi32>,
        "tpu.region"() ({
          %run_scoped3A = tpu.sem_alloc : memref<!tpu.dma_semaphore, #tpu.memory_space<semaphore_mem>>
          tpu.enqueue_dma source(%arg10 : memref<2048xi32, #tpu.memory_space<vmem>>) target(%arg5 : memref<2048xi32, #tpu.memory_space<hbm>>) target_semaphore(%run_scoped3A : memref<!tpu.dma_semaphore, #tpu.memory_space<semaphore_mem>>)
          tpu.wait_dma2 semaphore(%run_scoped3A : memref<!tpu.dma_semaphore, #tpu.memory_space<semaphore_mem>>) src(%arg10 : memref<2048xi32, #tpu.memory_space<vmem>>) dst(%arg5 : memref<2048xi32, #tpu.memory_space<hbm>>)
          tpu.yield
        }) : () -> ()
        "tpu.region"() ({
          %run_scoped3A = tpu.sem_alloc : memref<!tpu.dma_semaphore, #tpu.memory_space<semaphore_mem>>
          tpu.enqueue_dma source(%arg11 : memref<2048xf32, #tpu.memory_space<vmem>>) target(%arg6 : memref<2048xf32, #tpu.memory_space<hbm>>) target_semaphore(%run_scoped3A : memref<!tpu.dma_semaphore, #tpu.memory_space<semaphore_mem>>)
          tpu.wait_dma2 semaphore(%run_scoped3A : memref<!tpu.dma_semaphore, #tpu.memory_space<semaphore_mem>>) src(%arg11 : memref<2048xf32, #tpu.memory_space<vmem>>) dst(%arg6 : memref<2048xf32, #tpu.memory_space<hbm>>)
          tpu.yield
        }) : () -> ()
        "tpu.region"() ({
          %run_scoped3A = tpu.sem_alloc : memref<!tpu.dma_semaphore, #tpu.memory_space<semaphore_mem>>
          tpu.enqueue_dma source(%arg12 : memref<16xi32, #tpu.memory_space<vmem>>) target(%arg7 : memref<16xi32, #tpu.memory_space<hbm>>) target_semaphore(%run_scoped3A : memref<!tpu.dma_semaphore, #tpu.memory_space<semaphore_mem>>)
          tpu.wait_dma2 semaphore(%run_scoped3A : memref<!tpu.dma_semaphore, #tpu.memory_space<semaphore_mem>>) src(%arg12 : memref<16xi32, #tpu.memory_space<vmem>>) dst(%arg7 : memref<16xi32, #tpu.memory_space<hbm>>)
          tpu.yield
        }) : () -> ()
      } else {
      }
    } else {
    }
    %barrier3A = arith.constant 0 : index
    tpu.barrier barrier_id(%barrier3A)
    %mul3A_3 = arith.constant 128 : i32
    %mul3A_4 = arith.muli %add3A, %mul3A_3 : i32
    "tpu.region"() ({
      %run_scoped3A = tpu.sem_alloc : memref<!tpu.dma_semaphore, #tpu.memory_space<semaphore_mem>>
      %dma_start3A_9 = tpu.memref_slice %arg13[%mul3A_4] : memref<4096xi32, #tpu.memory_space<vmem_shared>> -> memref<128xi32, #tpu.memory_space<vmem_shared>>
      %dma_start3A_10 = tpu.memref_slice %arg13[%mul3A_4] : memref<4096xi32, #tpu.memory_space<vmem_shared>> -> memref<128xi32, #tpu.memory_space<vmem_shared>>
      tpu.enqueue_dma source(%dma_start3A_10 : memref<128xi32, #tpu.memory_space<vmem_shared>>) target(%arg14 : memref<128xi32, #tpu.memory_space<vmem>>) target_semaphore(%run_scoped3A : memref<!tpu.dma_semaphore, #tpu.memory_space<semaphore_mem>>)
      %dma_wait3A_11 = tpu.memref_slice %arg13[%mul3A_4] : memref<4096xi32, #tpu.memory_space<vmem_shared>> -> memref<128xi32, #tpu.memory_space<vmem_shared>>
      %dma_wait3A_12 = tpu.memref_slice %arg13[%mul3A_4] : memref<4096xi32, #tpu.memory_space<vmem_shared>> -> memref<128xi32, #tpu.memory_space<vmem_shared>>
      tpu.wait_dma2 semaphore(%run_scoped3A : memref<!tpu.dma_semaphore, #tpu.memory_space<semaphore_mem>>) src(%dma_wait3A_12 : memref<128xi32, #tpu.memory_space<vmem_shared>>) dst(%arg14 : memref<128xi32, #tpu.memory_space<vmem>>)
      tpu.yield
    }) : () -> ()
    %dma_start3A = arith.constant 0 : i32
    %dma_start3A_5 = arith.constant 0 : i32
    %dma_start3A_6 = tpu.memref_slice %arg3[%dma_start3A, %dma_start3A_5] : memref<2048x768xf32, #tpu.memory_space<hbm>> -> memref<2048x768xf32, #tpu.memory_space<hbm>>
    tpu.enqueue_indirect_dma source(%dma_start3A_6 : memref<2048x768xf32, #tpu.memory_space<hbm>>) target(%arg15 : memref<128x768xf32, #tpu.memory_space<vmem>>) offsets(%arg14 : memref<128xi32, #tpu.memory_space<vmem>>) semaphore(%arg16 : memref<!tpu.dma_semaphore, #tpu.memory_space<semaphore_mem>>)
    %dma_wait3A = arith.constant 0 : i32
    %dma_wait3A_7 = arith.constant 0 : i32
    %dma_wait3A_8 = tpu.memref_slice %arg3[%dma_wait3A, %dma_wait3A_7] : memref<2048x768xf32, #tpu.memory_space<hbm>> -> memref<2048x768xf32, #tpu.memory_space<hbm>>
    tpu.wait_indirect_dma semaphore(%arg16 : memref<!tpu.dma_semaphore, #tpu.memory_space<semaphore_mem>>) src(%dma_wait3A_8 : memref<2048x768xf32, #tpu.memory_space<hbm>>) dst(%arg15 : memref<128x768xf32, #tpu.memory_space<vmem>>)
    "tpu.region"() ({
      %run_scoped3A = tpu.sem_alloc : memref<!tpu.dma_semaphore, #tpu.memory_space<semaphore_mem>>
      %dma_start3A_9 = arith.constant 0 : i32
      %dma_start3A_10 = tpu.memref_slice %arg4[%mul3A_4, %dma_start3A_9] : memref<4096x768xf32, #tpu.memory_space<hbm>> -> memref<128x768xf32, #tpu.memory_space<hbm>>
      %dma_start3A_11 = arith.constant 0 : i32
      %dma_start3A_12 = tpu.memref_slice %arg4[%mul3A_4, %dma_start3A_11] : memref<4096x768xf32, #tpu.memory_space<hbm>> -> memref<128x768xf32, #tpu.memory_space<hbm>>
      tpu.enqueue_dma source(%arg15 : memref<128x768xf32, #tpu.memory_space<vmem>>) target(%dma_start3A_12 : memref<128x768xf32, #tpu.memory_space<hbm>>) target_semaphore(%run_scoped3A : memref<!tpu.dma_semaphore, #tpu.memory_space<semaphore_mem>>)
      %dma_wait3A_13 = arith.constant 0 : i32
      %dma_wait3A_14 = tpu.memref_slice %arg4[%mul3A_4, %dma_wait3A_13] : memref<4096x768xf32, #tpu.memory_space<hbm>> -> memref<128x768xf32, #tpu.memory_space<hbm>>
      %dma_wait3A_15 = arith.constant 0 : i32
      %dma_wait3A_16 = tpu.memref_slice %arg4[%mul3A_4, %dma_wait3A_15] : memref<4096x768xf32, #tpu.memory_space<hbm>> -> memref<128x768xf32, #tpu.memory_space<hbm>>
      tpu.wait_dma2 semaphore(%run_scoped3A : memref<!tpu.dma_semaphore, #tpu.memory_space<semaphore_mem>>) src(%arg15 : memref<128x768xf32, #tpu.memory_space<vmem>>) dst(%dma_wait3A_16 : memref<128x768xf32, #tpu.memory_space<hbm>>)
      tpu.yield
    }) : () -> ()
    return
  }
}

module attributes {stable_mosaic.version = 14 : i64} {
  func.func @_ffn_body(%arg0: i32, %arg1: i32, %arg2: memref<16xi32, #tpu.memory_space<smem>>, %arg3: memref<512x768xf32, #tpu.memory_space<vmem>>, %arg4: memref<1x768x1536xf32, #tpu.memory_space<vmem>>, %arg5: memref<1x1536x768xf32, #tpu.memory_space<vmem>>, %arg6: memref<512x768xf32, #tpu.memory_space<vmem>>) attributes {dimension_semantics = [#tpu.dimension_semantics<arbitrary>, #tpu.dimension_semantics<arbitrary>], iteration_bounds = array<i64: 8, 2>, scalar_prefetch = 1 : i64, scratch_operands = 0 : i64, tpu.core_type = #tpu.core_type<tc>, window_params = [{transform_indices = @transform_0, window_bounds = array<i64: 512, 768>}, {transform_indices = @transform_1, window_bounds = array<i64: 1, 768, 1536>}, {transform_indices = @transform_2, window_bounds = array<i64: 1, 1536, 768>}, {transform_indices = @transform_3, window_bounds = array<i64: 512, 768>}]} {
    %get3A = arith.index_cast %arg0 : i32 to index
    %get3A_0 = memref.load %arg2[%get3A] : memref<16xi32, #tpu.memory_space<smem>>
    %add3A = arith.constant 128 : i32
    %add3A_1 = arith.addi %get3A_0, %add3A : i32
    %sub3A = arith.constant 1 : i32
    %sub3A_2 = arith.subi %add3A_1, %sub3A : i32
    %jit3A = arith.constant 128 : i32
    %div3A = arith.divsi %sub3A_2, %jit3A : i32
    %sign3A = arith.constant 0 : i32
    %sign3A_3 = arith.cmpi sgt, %sub3A_2, %sign3A : i32
    %sign3A_4 = arith.extui %sign3A_3 : i1 to i32
    %sign3A_5 = arith.constant 0 : i32
    %sign3A_6 = arith.cmpi slt, %sub3A_2, %sign3A_5 : i32
    %sign3A_7 = arith.extui %sign3A_6 : i1 to i32
    %sign3A_8 = arith.subi %sign3A_4, %sign3A_7 : i32
    %sign3A_9 = arith.constant 0 : i32
    %sign3A_10 = arith.cmpi sgt, %jit3A, %sign3A_9 : i32
    %sign3A_11 = arith.extui %sign3A_10 : i1 to i32
    %sign3A_12 = arith.constant 0 : i32
    %sign3A_13 = arith.cmpi slt, %jit3A, %sign3A_12 : i32
    %sign3A_14 = arith.extui %sign3A_13 : i1 to i32
    %sign3A_15 = arith.subi %sign3A_11, %sign3A_14 : i32
    %ne3A = arith.cmpi ne, %sign3A_8, %sign3A_15 : i32
    %rem3A = arith.remsi %sub3A_2, %jit3A : i32
    %ne3A_16 = arith.constant 0 : i32
    %ne3A_17 = arith.cmpi ne, %rem3A, %ne3A_16 : i32
    %and3A = arith.andi %ne3A, %ne3A_17 : i1
    %sub3A_18 = arith.constant 1 : i32
    %sub3A_19 = arith.subi %div3A, %sub3A_18 : i32
    %select_n3A = arith.select %and3A, %sub3A_19, %div3A : i32
    %eq3A = arith.constant 0 : i32
    %eq3A_20 = arith.cmpi eq, %arg1, %eq3A : i32
    %convert_element_type3A = arith.extui %eq3A_20 : i1 to i32
    %cond3A = arith.constant 0 : i32
    %cond3A_21 = arith.cmpi ne, %convert_element_type3A, %cond3A : i32
    scf.if %cond3A_21 {
      %broadcast_in_dim3A = arith.constant 0.000000e+00 : f32
      %broadcast_in_dim3A_45 = vector.broadcast %broadcast_in_dim3A : f32 to vector<512x768xf32>
      %swap3A = arith.constant 0 : index
      %swap3A_46 = arith.constant 0 : index
      %swap3A_47 = vector.load %arg6[%swap3A, %swap3A_46] : memref<512x768xf32, #tpu.memory_space<vmem>>, vector<512x768xf32>
      tpu.vector_store %arg6[%swap3A, %swap3A_46], %broadcast_in_dim3A_45 {strides = array<i32>} : memref<512x768xf32, #tpu.memory_space<vmem>>, vector<512x768xf32>,
    } else {
    }
    %get3A_22 = arith.constant 0 : index
    %get3A_23 = arith.constant 0 : index
    %get3A_24 = arith.constant 0 : index
    %get3A_25 = vector.load %arg4[%get3A_22, %get3A_23, %get3A_24] : memref<1x768x1536xf32, #tpu.memory_space<vmem>>, vector<1x768x1536xf32>
    %get3A_26 = vector.shape_cast %get3A_25 : vector<1x768x1536xf32> to vector<768x1536xf32>
    %convert_element_type3A_27 = arith.truncf %get3A_26 : vector<768x1536xf32> to vector<768x1536xbf16>
    %get3A_28 = arith.constant 0 : index
    %get3A_29 = arith.constant 0 : index
    %get3A_30 = arith.constant 0 : index
    %get3A_31 = vector.load %arg5[%get3A_28, %get3A_29, %get3A_30] : memref<1x1536x768xf32, #tpu.memory_space<vmem>>, vector<1x1536x768xf32>
    %get3A_32 = vector.shape_cast %get3A_31 : vector<1x1536x768xf32> to vector<1536x768xf32>
    %convert_element_type3A_33 = arith.truncf %get3A_32 : vector<1536x768xf32> to vector<1536x768xbf16>
    %while3A = arith.constant 0 : i32
    %while3A_34 = arith.constant 0 : i32
    %while3A_35 = arith.subi %select_n3A, %while3A : i32
    %while3A_36 = arith.addi %while3A, %while3A_35 : i32
    %while3A_37 = arith.constant 1 : i32
    %while3A_38 = arith.divsi %while3A_35, %while3A_37 : i32
    %while3A_39 = arith.muli %while3A_38, %while3A_37 : i32
    %while3A_40 = arith.addi %while3A, %while3A_39 : i32
    %while3A_41 = arith.constant 1 : i32
    %while3A_42 = scf.for %while3A_45 = %while3A to %while3A_40 step %while3A_41 iter_args(%while3A_46 = %while3A_34) -> (i32)  : i32 {
      %mul3A = arith.constant 128 : i32
      %mul3A_47 = arith.muli %while3A_45, %mul3A : i32
      %multiple_of3A = tpu.assume_multiple %mul3A_47, 128 : i32
      %get3A_48 = arith.index_cast %multiple_of3A : i32 to index
      %get3A_49 = arith.constant 0 : index
      %get3A_50 = vector.load %arg3[%get3A_48, %get3A_49] : memref<512x768xf32, #tpu.memory_space<vmem>>, vector<128x768xf32>
      %convert_element_type3A_51 = arith.truncf %get3A_50 : vector<128x768xf32> to vector<128x768xbf16>
      %dot_general3A = arith.constant dense<0.000000e+00> : vector<128x1536xf32>
      %dot_general3A_52 = tpu.matmul %convert_element_type3A_51, %convert_element_type3A_27, %dot_general3A {dimension_numbers = #tpu.dot_dimension_numbers<[1], [0], [0], [1], [0, 0, 1, 1], [], []>, transpose_lhs_hint = false} : vector<128x768xbf16>, vector<768x1536xbf16>, vector<128x1536xf32> -> vector<128x1536xf32>
      %integer_pow3A = arith.mulf %dot_general3A_52, %dot_general3A_52 : vector<128x1536xf32>
      %integer_pow3A_53 = arith.mulf %dot_general3A_52, %integer_pow3A : vector<128x1536xf32>
      %mul3A_54 = arith.constant 4.471500e-02 : f32
      %mul3A_55 = vector.broadcast %mul3A_54 : f32 to vector<128x1536xf32>
      %mul3A_56 = arith.mulf %mul3A_55, %integer_pow3A_53 : vector<128x1536xf32>
      %add3A_57 = arith.addf %dot_general3A_52, %mul3A_56 : vector<128x1536xf32>
      %mul3A_58 = arith.constant 0.797884583 : f32
      %mul3A_59 = vector.broadcast %mul3A_58 : f32 to vector<128x1536xf32>
      %mul3A_60 = arith.mulf %mul3A_59, %add3A_57 : vector<128x1536xf32>
      %tanh3A = math.tanh %mul3A_60 : vector<128x1536xf32>
      %add3A_61 = arith.constant 1.000000e+00 : f32
      %add3A_62 = vector.broadcast %add3A_61 : f32 to vector<128x1536xf32>
      %add3A_63 = arith.addf %add3A_62, %tanh3A : vector<128x1536xf32>
      %mul3A_64 = arith.constant 5.000000e-01 : f32
      %mul3A_65 = vector.broadcast %mul3A_64 : f32 to vector<128x1536xf32>
      %mul3A_66 = arith.mulf %mul3A_65, %add3A_63 : vector<128x1536xf32>
      %mul3A_67 = arith.mulf %dot_general3A_52, %mul3A_66 : vector<128x1536xf32>
      %get3A_68 = arith.index_cast %multiple_of3A : i32 to index
      %get3A_69 = arith.constant 0 : index
      %get3A_70 = vector.load %arg6[%get3A_68, %get3A_69] : memref<512x768xf32, #tpu.memory_space<vmem>>, vector<128x768xf32>
      %convert_element_type3A_71 = arith.truncf %mul3A_67 : vector<128x1536xf32> to vector<128x1536xbf16>
      %dot_general3A_72 = arith.constant dense<0.000000e+00> : vector<128x768xf32>
      %dot_general3A_73 = tpu.matmul %convert_element_type3A_71, %convert_element_type3A_33, %dot_general3A_72 {dimension_numbers = #tpu.dot_dimension_numbers<[1], [0], [0], [1], [0, 0, 1, 1], [], []>, transpose_lhs_hint = false} : vector<128x1536xbf16>, vector<1536x768xbf16>, vector<128x768xf32> -> vector<128x768xf32>
      %add3A_74 = arith.addf %get3A_70, %dot_general3A_73 : vector<128x768xf32>
      %swap3A = arith.index_cast %multiple_of3A : i32 to index
      %swap3A_75 = arith.constant 0 : index
      %swap3A_76 = vector.load %arg6[%swap3A, %swap3A_75] : memref<512x768xf32, #tpu.memory_space<vmem>>, vector<128x768xf32>
      tpu.vector_store %arg6[%swap3A, %swap3A_75], %add3A_74 {strides = array<i32>} : memref<512x768xf32, #tpu.memory_space<vmem>>, vector<128x768xf32>,
      %while3A_77 = arith.constant 0 : i32
      scf.yield %while3A_77 : i32
    }
    %while3A_43 = arith.constant 1 : i32
    %while3A_44 = scf.for %while3A_45 = %while3A_40 to %while3A_36 step %while3A_43 iter_args(%while3A_46 = %while3A_42) -> (i32)  : i32 {
      %mul3A = arith.constant 128 : i32
      %mul3A_47 = arith.muli %while3A_45, %mul3A : i32
      %multiple_of3A = tpu.assume_multiple %mul3A_47, 128 : i32
      %get3A_48 = arith.index_cast %multiple_of3A : i32 to index
      %get3A_49 = arith.constant 0 : index
      %get3A_50 = vector.load %arg3[%get3A_48, %get3A_49] : memref<512x768xf32, #tpu.memory_space<vmem>>, vector<128x768xf32>
      %convert_element_type3A_51 = arith.truncf %get3A_50 : vector<128x768xf32> to vector<128x768xbf16>
      %dot_general3A = arith.constant dense<0.000000e+00> : vector<128x1536xf32>
      %dot_general3A_52 = tpu.matmul %convert_element_type3A_51, %convert_element_type3A_27, %dot_general3A {dimension_numbers = #tpu.dot_dimension_numbers<[1], [0], [0], [1], [0, 0, 1, 1], [], []>, transpose_lhs_hint = false} : vector<128x768xbf16>, vector<768x1536xbf16>, vector<128x1536xf32> -> vector<128x1536xf32>
      %integer_pow3A = arith.mulf %dot_general3A_52, %dot_general3A_52 : vector<128x1536xf32>
      %integer_pow3A_53 = arith.mulf %dot_general3A_52, %integer_pow3A : vector<128x1536xf32>
      %mul3A_54 = arith.constant 4.471500e-02 : f32
      %mul3A_55 = vector.broadcast %mul3A_54 : f32 to vector<128x1536xf32>
      %mul3A_56 = arith.mulf %mul3A_55, %integer_pow3A_53 : vector<128x1536xf32>
      %add3A_57 = arith.addf %dot_general3A_52, %mul3A_56 : vector<128x1536xf32>
      %mul3A_58 = arith.constant 0.797884583 : f32
      %mul3A_59 = vector.broadcast %mul3A_58 : f32 to vector<128x1536xf32>
      %mul3A_60 = arith.mulf %mul3A_59, %add3A_57 : vector<128x1536xf32>
      %tanh3A = math.tanh %mul3A_60 : vector<128x1536xf32>
      %add3A_61 = arith.constant 1.000000e+00 : f32
      %add3A_62 = vector.broadcast %add3A_61 : f32 to vector<128x1536xf32>
      %add3A_63 = arith.addf %add3A_62, %tanh3A : vector<128x1536xf32>
      %mul3A_64 = arith.constant 5.000000e-01 : f32
      %mul3A_65 = vector.broadcast %mul3A_64 : f32 to vector<128x1536xf32>
      %mul3A_66 = arith.mulf %mul3A_65, %add3A_63 : vector<128x1536xf32>
      %mul3A_67 = arith.mulf %dot_general3A_52, %mul3A_66 : vector<128x1536xf32>
      %get3A_68 = arith.index_cast %multiple_of3A : i32 to index
      %get3A_69 = arith.constant 0 : index
      %get3A_70 = vector.load %arg6[%get3A_68, %get3A_69] : memref<512x768xf32, #tpu.memory_space<vmem>>, vector<128x768xf32>
      %convert_element_type3A_71 = arith.truncf %mul3A_67 : vector<128x1536xf32> to vector<128x1536xbf16>
      %dot_general3A_72 = arith.constant dense<0.000000e+00> : vector<128x768xf32>
      %dot_general3A_73 = tpu.matmul %convert_element_type3A_71, %convert_element_type3A_33, %dot_general3A_72 {dimension_numbers = #tpu.dot_dimension_numbers<[1], [0], [0], [1], [0, 0, 1, 1], [], []>, transpose_lhs_hint = false} : vector<128x1536xbf16>, vector<1536x768xbf16>, vector<128x768xf32> -> vector<128x768xf32>
      %add3A_74 = arith.addf %get3A_70, %dot_general3A_73 : vector<128x768xf32>
      %swap3A = arith.index_cast %multiple_of3A : i32 to index
      %swap3A_75 = arith.constant 0 : index
      %swap3A_76 = vector.load %arg6[%swap3A, %swap3A_75] : memref<512x768xf32, #tpu.memory_space<vmem>>, vector<128x768xf32>
      tpu.vector_store %arg6[%swap3A, %swap3A_75], %add3A_74 {strides = array<i32>} : memref<512x768xf32, #tpu.memory_space<vmem>>, vector<128x768xf32>,
      %while3A_77 = arith.constant 0 : i32
      scf.yield %while3A_77 : i32
    }
    return
  }
  func.func @transform_0(%arg0: i32, %arg1: i32, %arg2: memref<16xi32, #tpu.memory_space<smem>>) -> (i32, i32) {
    %c0_i32 = arith.constant 0 : i32
    %c0_i32_0 = arith.constant 0 : i32
    return %arg0, %c0_i32 : i32, i32
  }
  func.func @transform_1(%arg0: i32, %arg1: i32, %arg2: memref<16xi32, #tpu.memory_space<smem>>) -> (i32, i32, i32) {
    %c0_i32 = arith.constant 0 : i32
    %c0_i32_0 = arith.constant 0 : i32
    return %arg0, %c0_i32, %arg1 : i32, i32, i32
  }
  func.func @transform_2(%arg0: i32, %arg1: i32, %arg2: memref<16xi32, #tpu.memory_space<smem>>) -> (i32, i32, i32) {
    %c0_i32 = arith.constant 0 : i32
    %c0_i32_0 = arith.constant 0 : i32
    return %arg0, %arg1, %c0_i32 : i32, i32, i32
  }
  func.func @transform_3(%arg0: i32, %arg1: i32, %arg2: memref<16xi32, #tpu.memory_space<smem>>) -> (i32, i32) {
    %c0_i32 = arith.constant 0 : i32
    %c0_i32_0 = arith.constant 0 : i32
    return %arg0, %c0_i32 : i32, i32
  }
}

module attributes {stable_mosaic.version = 14 : i64} {
  func.func @_gate_body(%arg0: memref<8x768xf32, #tpu.memory_space<vmem>>, %arg1: memref<2048x768xf32, #tpu.memory_space<vmem>>, %arg2: memref<8x2048xf32, #tpu.memory_space<vmem>>) attributes {dimension_semantics = [], scalar_prefetch = 0 : i64, scratch_operands = 0 : i64, tpu.core_type = #tpu.core_type<tc>} {
    %get3A = arith.constant 0 : index
    %get3A_0 = arith.constant 0 : index
    %get3A_1 = vector.load %arg0[%get3A, %get3A_0] : memref<8x768xf32, #tpu.memory_space<vmem>>, vector<8x768xf32>
    %get3A_2 = arith.constant 0 : index
    %get3A_3 = arith.constant 0 : index
    %get3A_4 = vector.load %arg1[%get3A_2, %get3A_3] : memref<2048x768xf32, #tpu.memory_space<vmem>>, vector<2048x768xf32>
    %dot_general3A = arith.constant dense<0.000000e+00> : vector<8x2048xf32>
    %dot_general3A_5 = tpu.matmul %get3A_1, %get3A_4, %dot_general3A {dimension_numbers = #tpu.dot_dimension_numbers<[1], [1], [0], [0], [0, 0, 1, 0], [], []>, transpose_lhs_hint = false} : vector<8x768xf32>, vector<2048x768xf32>, vector<8x2048xf32> -> vector<8x2048xf32>
    %swap3A = arith.constant 0 : index
    %swap3A_6 = arith.constant 0 : index
    %swap3A_7 = vector.load %arg2[%swap3A, %swap3A_6] : memref<8x2048xf32, #tpu.memory_space<vmem>>, vector<8x2048xf32>
    tpu.vector_store %arg2[%swap3A, %swap3A_6], %dot_general3A_5 {strides = array<i32>} : memref<8x2048xf32, #tpu.memory_space<vmem>>, vector<8x2048xf32>,
    return
  }
}

</mosaic_0001>

<sc_bundles>
// kernel: kernel.6.cloned.1.call-start
scs
__scs_entry_jumppad:
0x0: {  	(pc) =	sbr.rel $0x88, $3  }
0x1: {  	(tag) =	ssettag $0x0;
	lr =	simm.s32 $0x1  }
0x2: {  	[smem:$0x3F9D] =	sst lr;
	_ =	strace $0xD0000000  }
0x3: {  	_ = 	snop  }
0x4: {  	_ = 	snop  }
0x5: {  	_ = 	snop  }
0x6: {  	_ = 	snop  }
0x7: {  	_ = 	snop  }
__scs_overlays_trampoline_lowered:
0x8: {  	[smem:$0x3FAC] =	sst s0  }
0x9: {  	[smem:$0x3FAD] =	sst s1  }
0xa: {  	[smem:$0x3FAE] =	sst s2  }
0xb: {  	[smem:$0x3FAF] =	sst s3  }
0xc: {  	[smem:$0x3FB0] =	sst s4  }
0xd: {  	[smem:$0x3FB1] =	sst s5  }
0xe: {  	[smem:$0x3FB2] =	sst s6  }
0xf: {  	[smem:$0x3FB3] =	sst s7  }
0x10: {  	[smem:$0x3FB4] =	sst s8  }
0x11: {  	[smem:$0x3FB5] =	sst s9;
	s0 =	simm.s32 @!p0 $0x0  }
0x12: {  	s1 =	sld [smem:$0x3F9B];
	s0 =	simm.s32 @p0 $0x1  }
0x13: {  	[smem:$0x3FB6] =	sst s0;
	s0 =	simm.s32 @!p1 $0x0  }
0x14: {  	s2 =	sld [smem:$0x3F9A];
	s0 =	simm.s32 @p1 $0x1  }
0x15: {  	[smem:$0x3FB7] =	sst s0;
	s0 =	simm.s32 @!p2 $0x0  }
0x16: {  	s3 =	sld [smem:$0x3FDB];
	s0 =	simm.s32 @p2 $0x1  }
0x17: {  	s4 =	simm.s32 $0x1BF5;
	[smem:$0x3FB9] =	sst s0  }
0x18: {  	s0 =	sld [smem:$0x3F9C];
	_ =	swait.ge [sflag:s4], $0x0  }
0x19: {  	s7 =	sld [smem:$0x3F9D]  }
0x1a: {  	s8 =	sadd.s32 $0xFFFFE003, lr  }
0x1b: {  	s9 =	sadd.s32 $0xFFFFFEF7, lr;
	s5 =	simm.s32 $0xFFFFFFFF;
	p2 =	slt.u32 s8, $0xFFFFF086  }
0x1c: {  	p1 =	slt.u32 s9, $0xF7A;
	s5 =	simm.s32 @!p2 $0x0  }
0x1d: {  	s5 =	simm.s32 @p1 $0x1;
	p0 =	seq.s32 s7, s2  }
0x1e: {  	s7 =	smul.u32 @!p0 $0xF7A, s2;
	p2 =	seq.s32 @!p0 s5, $0x0  }
0x1f: {  	s9 =	smul.u32 $0xF7A, s1;
	s8 =	simm.s32 @!p0 $0x1BF5;
	p2 =	por !p2, p0  }
0x20: {  	[sflag:s8] =	ssyncset.s32 @!p0 $0xFFFFF086;
	s6 =	sadd.s32 @!p0 s3, s7;
	s7 =	simm.s32 @!p0 $0x108  }
0x21: {  	s3 =	sadd.s32 s3, s9;
	s6 =	sadd.s32 @!p0 $0x88, s6;
	s7 =	simm.s32 @p2 $0x1082  }
0x22: {  	[simem:s7], [sflag:s8] =	dma.local @!p0 [hbm:s6], $0xF7A  }
0x23: {  	s9 =	sor.u32 $0xD0000000, s2;
	s6 =	simm.s32 $0x108;
	_ =	swait.ge @!p0 [sflag:s8], $0x0  }
0x24: {  	s3 =	sadd.s32 $0x88, s3;
	s6 =	simm.s32 @!p1 $0x1082;
	[sflag:s4] =	ssyncset.s32 $0xFFFFF086  }
0x25: {  	[simem:s6], [sflag:s4] =	dma.local [hbm:s3], $0xF7A  }
0x26: {  	[smem:$0x3F9D] =	sst s1;
	(tag) =	ssettag s2;
	_ =	strace s9  }
0x27: {  	s1 =	sld [smem:$0x3FAD]  }
0x28: {  	s2 =	sld [smem:$0x3FAE]  }
0x29: {  	s4 =	sld [smem:$0x3FB0]  }
0x2a: {  	p0 =	seq.s32 s5, $0x0;
	s5 =	sld [smem:$0x3FB1]  }
0x2b: {  	s6 =	sld [smem:$0x3FB2]  }
0x2c: {  	s7 =	sld [smem:$0x3FB3]  }
0x2d: {  	s3 =	simm.s32 $0x108;
	s8 =	sld [smem:$0x3FB4]  }
0x2e: {  	s3 =	simm.s32 @!p0 $0x1082;
	s9 =	sld [smem:$0x3FB5]  }
0x2f: {  	lr =	sadd.s32 s0, s3;
	s0 =	sld [smem:$0x3FAC]  }
0x30: {  	s3 =	sld [smem:$0x3FAF]  }
0x31: {  	[smem:$0x3FB8] =	sst s10  }
0x32: {  	s10 =	sld [smem:$0x3FB6];
	_ =	sdelay $0x3  }
0x33: {  	p0 =	seq.s32 s10, $0x1;
	s10 =	sld [smem:$0x3FB8];
	_ =	sdelay $0x3  }
0x34: {  	[smem:$0x3FB8] =	sst s10  }
0x35: {  	s10 =	sld [smem:$0x3FB7];
	_ =	sdelay $0x3  }
0x36: {  	p1 =	seq.s32 s10, $0x1;
	s10 =	sld [smem:$0x3FB8];
	_ =	sdelay $0x3  }
0x37: {  	[smem:$0x3FB8] =	sst s10  }
0x38: {  	s10 =	sld [smem:$0x3FB9]  }
0x39: {  	_ = 	snop;
	(pc) =	sbr.ind lr, $3  }
0x3a: {  	_ = 	snop  }
0x3b: {  	_ = 	snop  }
0x3c: {  	p2 =	seq.s32 s10, $0x1;
	s10 =	sld [smem:$0x3FB8]  }
0x3d: {  	_ =	shalt  }
0x3e: {  	_ =	shalt  }
0x3f: {  	_ =	shalt  }
0x40: {  	_ =	shalt  }
0x41: {  	_ =	shalt  }
0x42: {  	_ =	shalt  }
0x43: {  	_ =	shalt  }
0x44: {  	_ =	shalt  }
0x45: {  	_ =	shalt  }
0x46: {  	_ =	shalt  }
0x47: {  	_ =	shalt  }
0x48: {  	_ =	shalt  }
0x49: {  	_ =	shalt  }
0x4a: {  	_ =	shalt  }
0x4b: {  	_ =	shalt  }
0x4c: {  	_ =	shalt  }
0x4d: {  	_ =	shalt  }
0x4e: {  	_ =	shalt  }
0x4f: {  	_ =	shalt  }
0x50: {  	_ =	shalt  }
0x51: {  	_ =	shalt  }
0x52: {  	_ =	shalt  }
0x53: {  	_ =	shalt  }
0x54: {  	_ =	shalt  }
0x55: {  	_ =	shalt  }
0x56: {  	_ =	shalt  }
0x57: {  	_ =	shalt  }
0x58: {  	_ =	shalt  }
0x59: {  	_ =	shalt  }
0x5a: {  	_ =	shalt  }
0x5b: {  	_ =	shalt  }
0x5c: {  	_ =	shalt  }
0x5d: {  	_ =	shalt  }
0x5e: {  	_ =	shalt  }
0x5f: {  	_ =	shalt  }
0x60: {  	_ =	shalt  }
0x61: {  	_ =	shalt  }
0x62: {  	_ =	shalt  }
0x63: {  	_ =	shalt  }
0x64: {  	_ =	shalt  }
0x65: {  	_ =	shalt  }
0x66: {  	_ =	shalt  }
0x67: {  	_ =	shalt  }
0x68: {  	_ =	shalt  }
0x69: {  	_ =	shalt  }
0x6a: {  	_ =	shalt  }
0x6b: {  	_ =	shalt  }
0x6c: {  	_ =	shalt  }
0x6d: {  	_ =	shalt  }
0x6e: {  	_ =	shalt  }
0x6f: {  	_ =	shalt  }
0x70: {  	_ =	shalt  }
0x71: {  	_ =	shalt  }
0x72: {  	_ =	shalt  }
0x73: {  	_ =	shalt  }
0x74: {  	_ =	shalt  }
0x75: {  	_ =	shalt  }
0x76: {  	_ =	shalt  }
0x77: {  	_ =	shalt  }
0x78: {  	_ =	shalt  }
0x79: {  	_ =	shalt  }
0x7a: {  	_ =	shalt  }
0x7b: {  	_ =	shalt  }
0x7c: {  	_ =	shalt  }
0x7d: {  	_ =	shalt  }
0x7e: {  	_ =	shalt  }
0x7f: {  	_ =	shalt  }
0x80: {  	_ =	shalt  }
0x81: {  	_ =	shalt  }
0x82: {  	_ =	shalt  }
0x83: {  	_ =	shalt  }
0x84: {  	_ =	shalt  }
0x85: {  	_ =	shalt  }
0x86: {  	_ =	shalt  }
0x87: {  	_ =	shalt  }
.Lfunc_end0:
.L_simem_size_0:
called_computation_lowered:
.L_overlay_start_0:
0x88: {  	s2 =	sld [smem:$0x3FD9]  }
0x89: {  	s3 =	sld [smem:$0x3FFE];
	_ =	sdelay $0x1  }
0x8a: {  	s1 =	srdreg.scid  }
0x8b: {  	s0 =	sand.u32 $0x1, s1  }
0x8c: {  	s17 =	sshll.u32 s0, $0xA;
	s2 =	sadd.s32 s3, s2  }
0x8d: {  	s2 =	sadd.s32 s2, s17  }
0x8e: {  	[smem:$0x3FC4] =	sst s2  }
0x8f: {  	_ = 	snop  }
0x90: {  	s2 =	sld [smem:$0x3FC9]  }
0x91: {  	s18 =	sld [smem:$0x3FD0];
	(tm) =	ssettm $0x1  }
0x92: {  	s4 =	sld [smem:$0x3FFB];
	_ =	sdelay $0x3  }
0x93: {  	_ =	strace s4  }
0x94: {  	s4 =	sld [smem:$0x3FFC];
	_ =	sdelay $0x3  }
0x95: {  	_ =	strace s4  }
0x96: {  	s4 =	sld [smem:$0x3FFD];
	_ =	sdelay $0x3  }
0x97: {  	_ =	strace s4  }
0x98: {  	_ =	strace $0x8FFFFFFF  }
0x99: {  	s19 =	sld [smem:$0x3FDB];
	_ =	sdelay $0x1  }
0x9a: {  	s5 =	simm.s32 $_scs_section_size  }
0x9b: {  	s6 =	simm.s32 $_size__tile_overlayer_lowered;
	s7 =	simm.s32 $_tile_overlayer_lowered  }
0x9c: {  	s22 =	simm.s32 $0x1BFF;
	s21 =	sshll.u32 s7, $0x1;
	s4 =	sadd.s32 s5, s19  }
0x9d: {  	s8 =	simm.s32 $0x0;
	s20 =	sshll.u32 s6, $0x1;
	s6 =	sadd.s32 s21, s4  }
0x9e: {  	[timem:s8], [sflag:s22] =	dma.local [hbm:s6], s20  }
0x9f: {  	_ =	swait.ge [sflag:s22], s20  }
0xa0: {  	s5 =	ssub.s32 $0x0, s20;
	[sflag:s22] =	ssyncset.done $0x0  }
0xa1: {  	[sflag:s22] =	ssyncadd.s32 s5;
	_ =	sdelay $0x1  }
0xa2: {  	s23 =	simm.s32 $0x1B8B  }
0xa3: {  	_ =	swait.ge [sflag:s23], $0x1  }
0xa4: {  	[sflag:s23] =	ssyncset.done $0x0  }
0xa5: {  	s25 =	simm.s32 $0x1B8E;
	s24 =	sld [smem:$0x3FFE];
	[sflag:s23] =	ssyncadd.s32 $0xFFFFFFFF  }
0xa6: {  	s26 =	simm.s32 $execute0_lowered;
	[smem:$0x3FD2] =	sst s25  }
0xa7: {  	s6 =	sshll.u32 s26, $0x1;
	_ =	strace $0x80000046;
	[dreg:$0x1] =	wrdreg $0xFFFFFFFF  }
0xa8: {  	s28 =	simm.s32 $_size_execute0_lowered;
	s4 =	sadd.s32 s4, s6;
	[dreg:$0x0] =	wrdreg $0x0  }
0xa9: {  	s6 =	sshll.u32 s28, $0x1;
	[dreg:$0x2] =	wrdreg s4  }
0xaa: {  	[dreg:$0x3] =	wrdreg s6  }
0xab: {  	[dreg:$0x4] =	wrdreg $0xC0  }
0xac: {  	_ =	task [dreg:s8], $0x5FFFF  }
0xad: {  	[dreg:$0x1] =	wrdreg $0xFFFFFFFF  }
0xae: {  	[dreg:$0x0] =	wrdreg $0x60  }
0xaf: {  	[dreg:$0x2] =	wrdreg s18  }
0xb0: {  	[dreg:$0x3] =	wrdreg s2  }
0xb1: {  	[dreg:$0x4] =	wrdreg s24  }
0xb2: {  	[dreg:$0x5] =	wrdreg $0x60800  }
0xb3: {  	[dreg:$0x6] =	wrdreg $0x9  }
0xb4: {  	_ =	task.clear_ibuf [dreg:s8], $0x7FFFF;
	_ =	strace $0x90000046  }
0xb5: {  	s29 =	simm.s32 $0x9;
	_ =	strace $0x80000048  }
0xb6: {  	_ =	swait.ge [sflag:s29], $0x1  }
0xb7: {  	[sflag:s29] =	ssyncadd.s32 $0xFFFFFFFF  }
0xb8: {  	_ =	strace $0x90000048  }
0xb9: {  	_ =	sfence  }
0xba: {  	s30 =	sld [smem:$0x0];
	_ =	sdelay $0x2  }
0xbb: {  	s31 =	sshll.u32 s1, $0xD;
	s1 =	sshrl.u32 s1, $0x2  }
0xbc: {  	s3 =	sand.u32 $0x4000, s31;
	s1 =	sadd.s32 s1, s30  }
0xbd: {  	s0 =	sor.u32 s3, s0;
	s1 =	sshll.u32 s1, $0x11  }
0xbe: {  	s0 =	sor.u32 s1, s0  }
0xbf: {  	s0 =	sadd.s32 $0x8F2B, s0  }
0xc0: {  	[sflag:s0] =	ssyncadd.remote.s32 $0x1  }
0xc1: {  	_ =	sfence.sel $0xFFFF  }
0xc2: {  	[dreg:$0x0] =	wrdreg $0xFFFFFFFF;
	(pc) =	sbr.abs _section_cstart, $3  }
0xc3: {  	[dreg:$0x1] =	wrdreg $0xFFFFFFFF  }
0xc4: {  	_ =	task.clear_ibuf [dreg:s8], $0x2FFFF;
	_ =	strace $0x9FFFFFFF  }
0xc5: {  	(tm) =	ssettm $0x7FFFFFFF  }
tec
execute0_lowered:
.L_overlay_start_1:
0x0: {  	(tag) =	ssettag $0x1  }
0x1: {  	s0 =	srdreg.scid;
	s1 =	rddreg [dreg:$0x1]  }
0x2: {  	s2 =	stileid.u32;
	s3 =	rddreg [dreg:$0x2]  }
0x3: {  	s9 =	rddreg [dreg:$0x3];
	s13 =	simm.s32 $0x2;
	s14 =	simm.s32 $0x4000  }
0x4: {  	s16 =	simm.s32 $0x6200;
	s15 =	simm.s32 $0x9200;
	s17 =	simm.s32 $0x9A00  }
0x5: {  	s18 =	simm.s32 $0xA200;
	s19 =	simm.s32 $0xAA00;
	s20 =	simm.s32 $0xB200  }
0x6: {  	s24 =	simm.s32 $0xBA00;
	s28 =	simm.s32 $0xD200;
	s29 =	simm.s32 $0xDA00  }
0x7: {  	s30 =	simm.s32 $0xE200;
	s31 =	simm.s32 $0xEA00;
	s22 =	simm.s32 $0x1  }
0x8: {  	s23 =	simm.s32 $0x0;
	s0 =	sand.u32 $0x1, s0;
	s4 =	sshll.u32 s2, $0x8  }
0x9: {  	s8 =	sadd.s32 $0x61800, s3;
	s10 =	sadd.s32 $0x61A00, s3;
	p0 =	sne.s32 s2, $0x0  }
0xa: {  	s2 =	simm.s32 $0x6A00;
	s5 =	sshll.u32 s0, $0x7;
	s7 =	ssub.s32 $0x2, s0  }
0xb: {  	p1 =	sne.s32 s0, $0x0;
	s0 =	simm.s32 $0x6180;
	s5 =	sor.u32 s5, s4  }
0xc: {  	s4 =	simm.s32 $0x0;
	s25 =	sshrl.u32 s7, $0x1;
	s6 =	sshrl.u32 s5, $0x3  }
0xd: {  	[smem:$0x7FF] =	sst s4;
	s26 =	ssub.s32 s7, s25;
	s7 =	simm.s32 $0x8A00  }
0xe: {  	s6 =	smul.u32 $0x300, s6;
	_ =	strace $0x80000047;
	[dreg:$0x5] =	wrdreg s8  }
.Ltmp0:
0xf: {  	v0 =	vlaneseq.u32;
	v1 =	vimm.s32 $0x7;
	v2 =	vimm.s32 $0x0;
	s25 =	simm.s32 $0xC200;
	[dreg:$0x6] =	wrdreg s10;
	(pc) =	sbr.rel .LBB2_1-.Ltmp0, $4  }
0x10: {  	vm8 =	vmmov $0xffff;
	v3 =	vand.u32 $0x7, v0;
	v4 =	vshrl.u32 v0, $0x3;
	s8 =	sadd.s32 s5, s9;
	s9 =	sadd.s32 $0x100, s1;
	s10 =	sadd.s32 $0x200, s1  }
0x11: {  	v5 =	vor.u32 $0x8, v0;
	v4 =	vmul.u32 $0x8, v4;
	vm1 =	vcmask @!p1 $0x704;
	s12 =	smax.u32 s26, $0x1;
	s6 =	sadd.s32 s6, s3;
	s3 =	sadd.s32 $0x1600, s3  }
0x12: {  	vm2 =	vcmask @!p1 $0xB08;
	vm3 =	vcmask @!p1 $0xF0C;
	vm4 =	vcmask @!p1 $0x1310;
	s5 =	simm.s32 $0x7A00;
	s26 =	simm.s32 $0xCA00;
	[dreg:$0x7] =	wrdreg s3  }
0x13: {  	vm5 =	vcmask @!p1 $0x1714;
	vm6 =	vcmask @!p1 $0x1B18;
	vm7 =	vcmask @!p1 $0x1F1C;
	s11 =	sadd.s32 $0x1800, s6;
	s3 =	simm.s32 $0x7200;
	s6 =	simm.s32 $0x8200  }
.LBB2_7:
0x14: {  	[bflag:$0x0] =	sbarrier.arrive $0xFFFF  }
0x15: {  	[tilespmem:s0], [sflag:$0x2] =	stream.linear.gather [spmem:s8], $0x80, $0x38;
	[tilespmem:$0x1E200] =	vst v63  }
0x16: {  	_ =	swait.ge [sflag:s13], $0x80  }
0x17: {  	[sflag:s13] =	ssyncset.done $0x0  }
0x18: {  	[sflag:s13] =	ssyncadd.s32 $0xFFFFFF80  }
0x19: {  	v6 =	vld [tilespmem:$0x6180];
	_ =	sdelay $0x4  }
0x1a: {  	v7 =	vshrl.u32 v6, $0x3  }
0x1b: {  	v7 =	vmul.u32 $0x30, v7  }
0x1c: {  	v6 =	vand.u32 $0x7, v6  }
0x1d: {  	v6 =	vor.u32 v6, v7  }
0x1e: {  	v7 =	vperm.xlane v6, v3;
	_ =	sdelay $0x1  }
0x1f: {  	v7 =	vadd.s32 v4, v7;
	_ =	sdelay $0x3  }
0x20: {  	v6 =	vperm.xlane v6, v5  }
0x21: {  	[tilespmem:s16], [sflag:$0x1] =	stream.indirect_vreg.gather [hbm4b:s1+s4], $0x80, v7, vm8, $0xb8;
	[tilespmem:$0x1E200] =	vst v63  }
0x22: {  	v6 =	vadd.s32 v4, v6  }
0x23: {  	[tilespmem:s2], [sflag:$0x1] =	stream.indirect_vreg.gather [hbm4b:s9+s4], $0x80, v7, vm8, $0xb8;
	[tilespmem:$0x1E200] =	vst v63  }
0x24: {  	_ = 	snop  }
0x25: {  	[tilespmem:s3], [sflag:$0x1] =	stream.indirect_vreg.gather [hbm4b:s10+s4], $0x80, v7, vm8, $0xb8;
	[tilespmem:$0x1E200] =	vst v63  }
0x26: {  	_ = 	snop  }
0x27: {  	[tilespmem:s5], [sflag:$0x1] =	stream.indirect_vreg.gather [hbm4b:s1+s4], $0x80, v6, vm8, $0xb8;
	[tilespmem:$0x1E200] =	vst v63  }
0x28: {  	_ = 	snop  }
0x29: {  	[tilespmem:s6], [sflag:$0x1] =	stream.indirect_vreg.gather [hbm4b:s9+s4], $0x80, v6, vm8, $0xb8;
	[tilespmem:$0x1E200] =	vst v63  }
0x2a: {  	_ = 	snop  }
0x2b: {  	[tilespmem:s7], [sflag:$0x1] =	stream.indirect_vreg.gather [hbm4b:s10+s4], $0x80, v6, vm8, $0xb8;
	[tilespmem:$0x1E200] =	vst v63  }
0x2c: {  	v6 =	vld [tilespmem:$0x6190];
	_ =	sdelay $0x4  }
0x2d: {  	v7 =	vshrl.u32 v6, $0x3  }
0x2e: {  	v7 =	vmul.u32 $0x30, v7  }
0x2f: {  	v6 =	vand.u32 $0x7, v6  }
0x30: {  	v6 =	vor.u32 v6, v7  }
0x31: {  	v7 =	vperm.xlane v6, v3;
	_ =	sdelay $0x1  }
0x32: {  	v7 =	vadd.s32 v4, v7;
	_ =	sdelay $0x3  }
0x33: {  	v6 =	vperm.xlane v6, v5  }
0x34: {  	[tilespmem:s15], [sflag:$0x1] =	stream.indirect_vreg.gather [hbm4b:s1+s4], $0x80, v7, vm8, $0xb8;
	[tilespmem:$0x1E200] =	vst v63  }
0x35: {  	v6 =	vadd.s32 v4, v6  }
0x36: {  	[tilespmem:s17], [sflag:$0x1] =	stream.indirect_vreg.gather [hbm4b:s9+s4], $0x80, v7, vm8, $0xb8;
	[tilespmem:$0x1E200] =	vst v63  }
0x37: {  	_ = 	snop  }
0x38: {  	[tilespmem:s18], [sflag:$0x1] =	stream.indirect_vreg.gather [hbm4b:s10+s4], $0x80, v7, vm8, $0xb8;
	[tilespmem:$0x1E200] =	vst v63  }
0x39: {  	_ = 	snop  }
0x3a: {  	[tilespmem:s19], [sflag:$0x1] =	stream.indirect_vreg.gather [hbm4b:s1+s4], $0x80, v6, vm8, $0xb8;
	[tilespmem:$0x1E200] =	vst v63  }
0x3b: {  	_ = 	snop  }
0x3c: {  	[tilespmem:s20], [sflag:$0x1] =	stream.indirect_vreg.gather [hbm4b:s9+s4], $0x80, v6, vm8, $0xb8;
	[tilespmem:$0x1E200] =	vst v63  }
0x3d: {  	_ = 	snop  }
0x3e: {  	[tilespmem:s24], [sflag:$0x1] =	stream.indirect_vreg.gather [hbm4b:s10+s4], $0x80, v6, vm8, $0xb8;
	[tilespmem:$0x1E200] =	vst v63  }
0x3f: {  	v6 =	vld [tilespmem:$0x61A0];
	_ =	sdelay $0x4  }
0x40: {  	v7 =	vshrl.u32 v6, $0x3  }
0x41: {  	v7 =	vmul.u32 $0x30, v7  }
0x42: {  	v6 =	vand.u32 $0x7, v6  }
0x43: {  	v6 =	vor.u32 v6, v7  }
0x44: {  	v7 =	vperm.xlane v6, v3;
	_ =	sdelay $0x1  }
0x45: {  	v7 =	vadd.s32 v4, v7;
	_ =	sdelay $0x3  }
0x46: {  	v6 =	vperm.xlane v6, v5  }
0x47: {  	[tilespmem:s25], [sflag:$0x1] =	stream.indirect_vreg.gather [hbm4b:s1+s4], $0x80, v7, vm8, $0xb8;
	[tilespmem:$0x1E200] =	vst v63  }
0x48: {  	v6 =	vadd.s32 v4, v6  }
0x49: {  	[tilespmem:s26], [sflag:$0x1] =	stream.indirect_vreg.gather [hbm4b:s9+s4], $0x80, v7, vm8, $0xb8;
	[tilespmem:$0x1E200] =	vst v63  }
0x4a: {  	_ = 	snop  }
0x4b: {  	[tilespmem:s28], [sflag:$0x1] =	stream.indirect_vreg.gather [hbm4b:s10+s4], $0x80, v7, vm8, $0xb8;
	[tilespmem:$0x1E200] =	vst v63  }
0x4c: {  	_ = 	snop  }
0x4d: {  	[tilespmem:s29], [sflag:$0x1] =	stream.indirect_vreg.gather [hbm4b:s1+s4], $0x80, v6, vm8, $0xb8;
	[tilespmem:$0x1E200] =	vst v63  }
0x4e: {  	_ = 	snop  }
0x4f: {  	[tilespmem:s30], [sflag:$0x1] =	stream.indirect_vreg.gather [hbm4b:s9+s4], $0x80, v6, vm8, $0xb8;
	[tilespmem:$0x1E200] =	vst v63  }
0x50: {  	_ = 	snop  }
0x51: {  	[tilespmem:s31], [sflag:$0x1] =	stream.indirect_vreg.gather [hbm4b:s10+s4], $0x80, v6, vm8, $0xb8;
	[tilespmem:$0x1E200] =	vst v63  }
0x52: {  	v6 =	vld [tilespmem:$0x61B0];
	_ =	sdelay $0x4  }
0x53: {  	v7 =	vshrl.u32 v6, $0x3  }
0x54: {  	v7 =	vmul.u32 $0x30, v7  }
0x55: {  	v6 =	vand.u32 $0x7, v6  }
0x56: {  	v6 =	vor.u32 v6, v7  }
0x57: {  	v7 =	vperm.xlane v6, v3;
	_ =	sdelay $0x1  }
0x58: {  	v7 =	vadd.s32 v4, v7;
	_ =	sdelay $0x3  }
0x59: {  	s21 =	simm.s32 $0xF200;
	v6 =	vperm.xlane v6, v5  }
0x5a: {  	[tilespmem:s21], [sflag:$0x1] =	stream.indirect_vreg.gather [hbm4b:s1+s4], $0x80, v7, vm8, $0xb8;
	[tilespmem:$0x1E200] =	vst v63  }
0x5b: {  	v6 =	vadd.s32 v4, v6;
	s21 =	simm.s32 $0xFA00  }
0x5c: {  	[tilespmem:s21], [sflag:$0x1] =	stream.indirect_vreg.gather [hbm4b:s9+s4], $0x80, v7, vm8, $0xb8;
	[tilespmem:$0x1E200] =	vst v63  }
0x5d: {  	s21 =	simm.s32 $0x10200  }
0x5e: {  	[tilespmem:s21], [sflag:$0x1] =	stream.indirect_vreg.gather [hbm4b:s10+s4], $0x80, v7, vm8, $0xb8;
	[tilespmem:$0x1E200] =	vst v63  }
0x5f: {  	s21 =	simm.s32 $0x10A00  }
0x60: {  	[tilespmem:s21], [sflag:$0x1] =	stream.indirect_vreg.gather [hbm4b:s1+s4], $0x80, v6, vm8, $0xb8;
	[tilespmem:$0x1E200] =	vst v63  }
0x61: {  	s21 =	simm.s32 $0x11200  }
0x62: {  	[tilespmem:s21], [sflag:$0x1] =	stream.indirect_vreg.gather [hbm4b:s9+s4], $0x80, v6, vm8, $0xb8;
	[tilespmem:$0x1E200] =	vst v63  }
0x63: {  	s21 =	simm.s32 $0x11A00  }
0x64: {  	[tilespmem:s21], [sflag:$0x1] =	stream.indirect_vreg.gather [hbm4b:s10+s4], $0x80, v6, vm8, $0xb8;
	[tilespmem:$0x1E200] =	vst v63  }
0x65: {  	v6 =	vld [tilespmem:$0x61C0];
	_ =	sdelay $0x4  }
0x66: {  	v7 =	vshrl.u32 v6, $0x3  }
0x67: {  	v7 =	vmul.u32 $0x30, v7  }
0x68: {  	v6 =	vand.u32 $0x7, v6  }
0x69: {  	v6 =	vor.u32 v6, v7  }
0x6a: {  	v7 =	vperm.xlane v6, v3;
	_ =	sdelay $0x1  }
0x6b: {  	v7 =	vadd.s32 v4, v7;
	_ =	sdelay $0x3  }
0x6c: {  	s21 =	simm.s32 $0x12200;
	v6 =	vperm.xlane v6, v5  }
0x6d: {  	[tilespmem:s21], [sflag:$0x1] =	stream.indirect_vreg.gather [hbm4b:s1+s4], $0x80, v7, vm8, $0xb8;
	[tilespmem:$0x1E200] =	vst v63  }
0x6e: {  	v6 =	vadd.s32 v4, v6;
	s21 =	simm.s32 $0x12A00  }
0x6f: {  	[tilespmem:s21], [sflag:$0x1] =	stream.indirect_vreg.gather [hbm4b:s9+s4], $0x80, v7, vm8, $0xb8;
	[tilespmem:$0x1E200] =	vst v63  }
0x70: {  	s21 =	simm.s32 $0x13200  }
0x71: {  	[tilespmem:s21], [sflag:$0x1] =	stream.indirect_vreg.gather [hbm4b:s10+s4], $0x80, v7, vm8, $0xb8;
	[tilespmem:$0x1E200] =	vst v63  }
0x72: {  	s21 =	simm.s32 $0x13A00  }
0x73: {  	[tilespmem:s21], [sflag:$0x1] =	stream.indirect_vreg.gather [hbm4b:s1+s4], $0x80, v6, vm8, $0xb8;
	[tilespmem:$0x1E200] =	vst v63  }
0x74: {  	s21 =	simm.s32 $0x14200  }
0x75: {  	[tilespmem:s21], [sflag:$0x1] =	stream.indirect_vreg.gather [hbm4b:s9+s4], $0x80, v6, vm8, $0xb8;
	[tilespmem:$0x1E200] =	vst v63  }
0x76: {  	s21 =	simm.s32 $0x14A00  }
0x77: {  	[tilespmem:s21], [sflag:$0x1] =	stream.indirect_vreg.gather [hbm4b:s10+s4], $0x80, v6, vm8, $0xb8;
	[tilespmem:$0x1E200] =	vst v63  }
0x78: {  	v6 =	vld [tilespmem:$0x61D0];
	_ =	sdelay $0x4  }
0x79: {  	v7 =	vshrl.u32 v6, $0x3  }
0x7a: {  	v7 =	vmul.u32 $0x30, v7  }
0x7b: {  	v6 =	vand.u32 $0x7, v6  }
0x7c: {  	v6 =	vor.u32 v6, v7  }
0x7d: {  	v7 =	vperm.xlane v6, v3;
	_ =	sdelay $0x1  }
0x7e: {  	v7 =	vadd.s32 v4, v7;
	_ =	sdelay $0x3  }
0x7f: {  	s21 =	simm.s32 $0x15200;
	v6 =	vperm.xlane v6, v5  }
0x80: {  	[tilespmem:s21], [sflag:$0x1] =	stream.indirect_vreg.gather [hbm4b:s1+s4], $0x80, v7, vm8, $0xb8;
	[tilespmem:$0x1E200] =	vst v63  }
0x81: {  	v6 =	vadd.s32 v4, v6;
	s21 =	simm.s32 $0x15A00  }
0x82: {  	[tilespmem:s21], [sflag:$0x1] =	stream.indirect_vreg.gather [hbm4b:s9+s4], $0x80, v7, vm8, $0xb8;
	[tilespmem:$0x1E200] =	vst v63  }
0x83: {  	s21 =	simm.s32 $0x16200  }
0x84: {  	[tilespmem:s21], [sflag:$0x1] =	stream.indirect_vreg.gather [hbm4b:s10+s4], $0x80, v7, vm8, $0xb8;
	[tilespmem:$0x1E200] =	vst v63  }
0x85: {  	s21 =	simm.s32 $0x16A00  }
0x86: {  	[tilespmem:s21], [sflag:$0x1] =	stream.indirect_vreg.gather [hbm4b:s1+s4], $0x80, v6, vm8, $0xb8;
	[tilespmem:$0x1E200] =	vst v63  }
0x87: {  	s21 =	simm.s32 $0x17200  }
0x88: {  	[tilespmem:s21], [sflag:$0x1] =	stream.indirect_vreg.gather [hbm4b:s9+s4], $0x80, v6, vm8, $0xb8;
	[tilespmem:$0x1E200] =	vst v63  }
0x89: {  	s21 =	simm.s32 $0x17A00  }
0x8a: {  	[tilespmem:s21], [sflag:$0x1] =	stream.indirect_vreg.gather [hbm4b:s10+s4], $0x80, v6, vm8, $0xb8;
	[tilespmem:$0x1E200] =	vst v63  }
0x8b: {  	v6 =	vld [tilespmem:$0x61E0];
	_ =	sdelay $0x4  }
0x8c: {  	v7 =	vshrl.u32 v6, $0x3  }
0x8d: {  	v7 =	vmul.u32 $0x30, v7  }
0x8e: {  	v6 =	vand.u32 $0x7, v6  }
0x8f: {  	v6 =	vor.u32 v6, v7  }
0x90: {  	v7 =	vperm.xlane v6, v3;
	_ =	sdelay $0x1  }
0x91: {  	v7 =	vadd.s32 v4, v7;
	_ =	sdelay $0x3  }
0x92: {  	s21 =	simm.s32 $0x18200;
	v6 =	vperm.xlane v6, v5  }
0x93: {  	[tilespmem:s21], [sflag:$0x1] =	stream.indirect_vreg.gather [hbm4b:s1+s4], $0x80, v7, vm8, $0xb8;
	[tilespmem:$0x1E200] =	vst v63  }
0x94: {  	v6 =	vadd.s32 v4, v6;
	s21 =	simm.s32 $0x18A00  }
0x95: {  	[tilespmem:s21], [sflag:$0x1] =	stream.indirect_vreg.gather [hbm4b:s9+s4], $0x80, v7, vm8, $0xb8;
	[tilespmem:$0x1E200] =	vst v63  }
0x96: {  	s21 =	simm.s32 $0x19200  }
0x97: {  	[tilespmem:s21], [sflag:$0x1] =	stream.indirect_vreg.gather [hbm4b:s10+s4], $0x80, v7, vm8, $0xb8;
	[tilespmem:$0x1E200] =	vst v63  }
0x98: {  	s21 =	simm.s32 $0x19A00  }
0x99: {  	[tilespmem:s21], [sflag:$0x1] =	stream.indirect_vreg.gather [hbm4b:s1+s4], $0x80, v6, vm8, $0xb8;
	[tilespmem:$0x1E200] =	vst v63  }
0x9a: {  	s21 =	simm.s32 $0x1A200  }
0x9b: {  	[tilespmem:s21], [sflag:$0x1] =	stream.indirect_vreg.gather [hbm4b:s9+s4], $0x80, v6, vm8, $0xb8;
	[tilespmem:$0x1E200] =	vst v63  }
0x9c: {  	s21 =	simm.s32 $0x1AA00  }
0x9d: {  	[tilespmem:s21], [sflag:$0x1] =	stream.indirect_vreg.gather [hbm4b:s10+s4], $0x80, v6, vm8, $0xb8;
	[tilespmem:$0x1E200] =	vst v63  }
0x9e: {  	v6 =	vld [tilespmem:$0x61F0];
	_ =	sdelay $0x4  }
0x9f: {  	v7 =	vshrl.u32 v6, $0x3  }
0xa0: {  	v7 =	vmul.u32 $0x30, v7  }
0xa1: {  	v6 =	vand.u32 $0x7, v6  }
0xa2: {  	v6 =	vor.u32 v6, v7  }
0xa3: {  	v7 =	vperm.xlane v6, v3;
	_ =	sdelay $0x1  }
0xa4: {  	v7 =	vadd.s32 v4, v7;
	_ =	sdelay $0x3  }
0xa5: {  	s21 =	simm.s32 $0x1B200;
	v6 =	vperm.xlane v6, v5  }
0xa6: {  	[tilespmem:s21], [sflag:$0x1] =	stream.indirect_vreg.gather [hbm4b:s1+s4], $0x80, v7, vm8, $0xb8;
	[tilespmem:$0x1E200] =	vst v63  }
0xa7: {  	v6 =	vadd.s32 v4, v6;
	s21 =	simm.s32 $0x1BA00  }
0xa8: {  	[tilespmem:s21], [sflag:$0x1] =	stream.indirect_vreg.gather [hbm4b:s9+s4], $0x80, v7, vm8, $0xb8;
	[tilespmem:$0x1E200] =	vst v63  }
0xa9: {  	s21 =	simm.s32 $0x1C200  }
0xaa: {  	[tilespmem:s21], [sflag:$0x1] =	stream.indirect_vreg.gather [hbm4b:s10+s4], $0x80, v7, vm8, $0xb8;
	[tilespmem:$0x1E200] =	vst v63  }
0xab: {  	s21 =	simm.s32 $0x1CA00  }
0xac: {  	[tilespmem:s21], [sflag:$0x1] =	stream.indirect_vreg.gather [hbm4b:s1+s4], $0x80, v6, vm8, $0xb8;
	[tilespmem:$0x1E200] =	vst v63  }
0xad: {  	s21 =	simm.s32 $0x1D200  }
0xae: {  	[tilespmem:s21], [sflag:$0x1] =	stream.indirect_vreg.gather [hbm4b:s9+s4], $0x80, v6, vm8, $0xb8;
	[tilespmem:$0x1E200] =	vst v63  }
0xaf: {  	s21 =	simm.s32 $0x1DA00  }
0xb0: {  	[tilespmem:s21], [sflag:$0x1] =	stream.indirect_vreg.gather [hbm4b:s10+s4], $0x80, v6, vm8, $0xb8;
	[tilespmem:$0x1E200] =	vst v63  }
0xb1: {  	s23 =	sadd.s32 $0x1, s23;
	_ =	swait.ge [sflag:s22], $0x18000  }
0xb2: {  	p2 =	sne.s32 s23, s12;
	[sflag:s22] =	ssyncset.done $0x0  }
.Ltmp1:
0xb3: {  	[sflag:s22] =	ssyncadd.s32 $0xFFFE8000;
	(pc) =	sbr.rel @!p2 .LBB2_8-.Ltmp1, $4  }
0xb4: {  	[hbm4b:s11+s4] =	stream.linear.scatter [tilespmem:s16], [sflag:$0x2], $0x18000, $0x38;
	[tilespmem:$0x1E200] =	vst v63  }
0xb5: {  	_ =	swait.ge [sflag:s13], $0x18000  }
0xb6: {  	[sflag:s13] =	ssyncset.done $0x0  }
0xb7: {  	[sflag:s13] =	ssyncadd.s32 $0xFFFE8000  }
.LBB2_1:
.Ltmp2:
0xb8: {  	(pc) =	sbr.rel @p0 .LBB2_7-.Ltmp2, $1  }
0xb9: {  	_ =	sdelay $0x3  }
0xba: {  	s6 =	simm.s32 $0x0;
	s0 =	rddreg [dreg:$0x0]  }
0xbb: {  	[tilespmem:s6], [sflag:$0x2] =	stream.linear.gather [hbm4b:s0+s6], $0x4000, $0x38;
	[tilespmem:$0x1E200] =	vst v63  }
0xbc: {  	_ =	swait.ge [sflag:s13], $0x4000  }
0xbd: {  	[sflag:s13] =	ssyncset.done $0x0  }
0xbe: {  	s2 =	simm.s32 $0x0;
	s0 =	simm.s32 $0x4000;
	[sflag:s13] =	ssyncadd.s32 $0xFFFFC000  }
.LBB2_3:
0xbf: {  	p2 =	sne.s32 s2, $0xFF0  }
.Ltmp3:
0xc0: {  	_ = 	snop;
	(pc) =	sbr.rel @p2 .LBB2_3-.Ltmp3, $4  }
0xc1: {  	_ = 	snop  }
0xc2: {  	v6 =	vor.u32 s2, v0  }
0xc3: {  	v6 =	vand.u32 $0x7FF, v6  }
0xc4: {  	s2 =	sadd.s32 $0x10, s2;
	[tilespmem:s0+$0x0] =	vst v6;
	s0 =	sadd.s32 $0x10, s0  }
0xc5: {  	s0 =	sand.u32 $0x70, s6;
	s2 =	sand.u32 $0x3C00, s6  }
0xc6: {  	s0 =	sor.u32 s0, s2  }
0xc7: {  	v21 =	vld [tilespmem:s0+$0x0]  }
0xc8: {  	v17 =	vld [tilespmem:s0+$0x80]  }
0xc9: {  	v25 =	vld [tilespmem:s0+$0x100]  }
0xca: {  	v15 =	vld [tilespmem:s0+$0x180]  }
0xcb: {  	v18 =	vld [tilespmem:s0+$0x200]  }
0xcc: {  	v19 =	vld [tilespmem:s0+$0x280]  }
0xcd: {  	v14 =	vld [tilespmem:s0+$0x300];
	v6 =	vmax.f32 v21, v17  }
0xce: {  	v16 =	vld [tilespmem:s0+$0x380];
	v6 =	vmax.f32 v6, v25  }
0xcf: {  	v7 =	vmov s6;
	v6 =	vmax.f32 v6, v15  }
0xd0: {  	v12 =	vadd.s32 $0xFFFFFFFF, v7;
	v13 =	vadd.s32 $0xFFFFFFFF, v7;
	v9 =	vmax.f32 v6, v18  }
0xd1: {  	v8 =	vadd.s32 $0xFFFFFFFF, v7;
	v10 =	vadd.s32 $0xFFFFFFFF, v7;
	v9 =	vmax.f32 v9, v19  }
0xd2: {  	v11 =	vadd.s32 $0xFFFFFFFF, v7;
	v6 =	vadd.s32 $0xFFFFFFFF, v7;
	v20 =	vmax.f32 v9, v14  }
0xd3: {  	v9 =	vadd.s32 $0xFFFFFFFF, v7;
	v7 =	vadd.s32 $0xFFFFFFFF, v7;
	v20 =	vmax.f32 v20, v16  }
0xd4: {  	s7 =	simm.s32 $0x5000;
	s15 =	simm.s32 $0x5800;
	vm10 =	veq.f32 v15, v20;
	v22 =	vsub.f32 v21, v20;
	v23 =	vsub.f32 v17, v20  }
0xd5: {  	s17 =	simm.s32 $0x10;
	s24 =	simm.s32 $0x0;
	s28 =	simm.s32 $0x0;
	vm0 =	veq.f32 v14, v20;
	vm9 =	veq.f32 v21, v20;
	v21 =	vsub.f32 v25, v20  }
0xd6: {  	s5 =	simm.s32 $0x0;
	s3 =	simm.s32 $0x0;
	s31 =	simm.s32 $0x0;
	vm11 =	veq.f32 v19, v20;
	vm12 =	veq.f32 v25, v20;
	v26 =	vmul.f32 $1.442695020e+00, v22  }
0xd7: {  	s26 =	simm.s32 $0x0;
	s29 =	simm.s32 $0x0;
	s30 =	simm.s32 $0x0;
	v27 =	vsel vm0, $0x6, v1;
	v24 =	vmul.f32 $1.442695020e+00, v23;
	v23 =	vmul.f32 $1.442695020e+00, v21  }
0xd8: {  	s25 =	simm.s32 $0x0;
	s2 =	simm.s32 $0x5000;
	s0 =	simm.s32 $0x5800;
	v22 =	vsub.f32 v18, v20;
	v21 =	vsel vm11, $0x5, v27;
	(erf) = vpow2.f32 v26  }
.LBB2_5:
0xd9: {  	vm11 =	vne.f32 v17, v20;
	v17 =	vsub.f32 v19, v20;
	s6 =	sadd.s32 $0x80, s6;
	s7 =	sadd.s32 $0x10, s7;
	s15 =	sadd.s32 $0x10, s15;
	(erf) = vpow2.f32 v24  }
0xda: {  	s18 =	sand.u32 $0x70, s17;
	p2 =	sne.s32 s17, $0x7F0;
	vm0 =	veq.f32 v18, v20;
	v15 =	vsub.f32 v15, v20;
	s19 =	sand.u32 $0x3C00, s6;
	vm13 =	vmor vm9, vm11  }
0xdb: {  	s18 =	sor.u32 s18, s19;
	v17 =	vmul.f32 $1.442695020e+00, v17;
	vm13 =	vmneg vm13;
	(erf) = vpow2.f32 v23;
	s19 =	smov.u32 s17;
	s17 =	sadd.s32 $0x10, s17  }
0xdc: {  	v14 =	vsub.f32 v14, v20;
	v15 =	vmul.f32 $1.442695020e+00, v15;
	v18 =	vsel vm13, $0x1, v2  }
0xdd: {  	v16 =	vsub.f32 v16, v20;
	v19 =	vsel vm9, $0x1, v2;
	(xrf0) =	vadd.scan.msk.s32 $0xffff, v18  }
0xde: {  	v20 =	vmul.f32 $1.442695020e+00, v22;
	(erf) = vpow2.f32 v15  }
0xdf: {  	v14 =	vmul.f32 $1.442695020e+00, v14;
	v15 =	vmul.f32 $1.442695020e+00, v16;
	(xrf0) =	vadd.scan.msk.s32 $0xffff, v19  }
0xe0: {  	v16 =	vsel vm0, $0x4, v21;
	(erf) = vpow2.f32 v20  }
0xe1: {  	v12 =	vbroadcast v12, $0x0;
	v16 =	vsel vm10, $0x3, v16;
	v18 =	vpop (erf);
	(erf) = vpow2.f32 v15  }
0xe2: {  	v15 =	vsel vm12, $0x2, v16;
	v16 =	vadd.f32 $0.0e+00, v18;
	v18 =	vpop (erf);
	(erf) = vpow2.f32 v17  }
0xe3: {  	v13 =	vbroadcast v13, $0x0;
	v15 =	vnsel vm11, $0x1, v15;
	(erf) = vpow2.f32 v14;
	v14, _, _ =	vpop (xrf0)  }
0xe4: {  	v15 =	vsel vm9, $0x0, v15;
	v16 =	vadd.f32 v16, v18;
	v17 =	vpop (erf);
	(v2sf) =	vpush v14, $0xF  }
0xe5: {  	vm0 =	veq.s32 v15, $0x2;
	vm14 =	veq.s32 v15, $0x3;
	vm10 =	veq.s32 v15, $0x7;
	v18, _, _ =	vpop (xrf0)  }
0xe6: {  	vm12 =	veq.s32 v15, $0x5;
	v16 =	vadd.f32 v16, v17;
	v17 =	vsel vm0, $0x1, v2  }
0xe7: {  	v19 =	vsel vm14, $0x1, v2;
	v20 =	vsel vm12, $0x1, v2;
	v23 =	vsel vm10, $0x1, v2;
	v22 =	vpop (erf);
	(xrf0) =	vadd.scan.msk.s32 $0xffff, v17  }
0xe8: {  	vm15 =	veq.s32 v15, $0x4;
	vm13 =	veq.s32 v15, $0x6;
	v16 =	vadd.f32 v16, v22;
	(xrf0) =	vadd.scan.msk.s32 $0xffff, v23  }
0xe9: {  	v12 =	vadd.s32 v12, v14;
	v14 =	vsel vm15, $0x1, v2;
	v17 =	vsel vm13, $0x1, v2;
	v21 =	vpop (erf);
	(xrf0) =	vadd.scan.msk.s32 $0xffff, v19  }
0xea: {  	v12 =	vsel vm11, $0x0, v12;
	v22 =	vadd.f32 v16, v21;
	v21 =	vadd.s32 v13, v18;
	v19 =	vpop (erf);
	(xrf0) =	vadd.scan.msk.s32 $0xffff, v17  }
0xeb: {  	v12 =	vsel vm9, v21, v12;
	v13 =	vpop (erf);
	(v2sf) =	vpush v18, $0xF;
	(xrf0) =	vadd.scan.msk.s32 $0xffff, v14  }
0xec: {  	v8 =	vbroadcast v8, $0x0;
	v6 =	vbroadcast v6, $0x0;
	v13 =	vadd.f32 v22, v13;
	v14 =	vpop (erf);
	(xrf0) =	vadd.scan.msk.s32 $0xffff, v20  }
0xed: {  	v10 =	vbroadcast v10, $0x0;
	v11 =	vbroadcast v11, $0x0;
	v16, _, _ =	vpop (xrf0)  }
0xee: {  	v13 =	vadd.f32 v13, v14;
	v8 =	vadd.s32 v8, v16;
	(v2sf) =	vpush v16, $0xF;
	v14, _, _ =	vpop (xrf0)  }
0xef: {  	v9 =	vbroadcast v9, $0x0;
	v8 =	vsel vm0, v8, v12;
	v12, _, _ =	vpop (xrf0);
	(v2sf) =	vpush v14, $0xF  }
0xf0: {  	v13 =	vadd.f32 v13, v19;
	v16 =	vadd.s32 v10, v12;
	(v2sf) =	vpush v12, $0xF;
	v12, _, _ =	vpop (xrf0)  }
0xf1: {  	v7 =	vbroadcast v7, $0x0;
	v8 =	vsel vm14, v16, v8;
	v10, _, _ =	vpop (xrf0);
	(v2sf) =	vpush v12, $0xF  }
0xf2: {  	v9 =	vadd.s32 v9, v10;
	(erf) = vrcp.f32 v13;
	(v2sf) =	vpush v10, $0xF;
	v10, _, _ =	vpop (xrf0)  }
0xf3: {  	v8 =	vsel vm15, v9, v8;
	v7 =	vadd.s32 v7, v10;
	s20 =	spop (v2sf);
	(v2sf) =	vpush v10, $0xF  }
0xf4: {  	s24 =	sadd.s32 s24, s20;
	v7 =	vsel vm12, v7, v8;
	v8 =	vadd.s32 v11, v12  }
0xf5: {  	v6 =	vadd.s32 v6, v14;
	v9 =	vmov s24;
	v7 =	vsel vm13, v8, v7  }
0xf6: {  	v12 =	vadd.s32 $0xFFFFFFFF, v9;
	v6 =	vsel vm10, v6, v7;
	v7 =	vshll.u32 v15, $0x9  }
0xf7: {  	v7 =	vadd.s32 v7, v6  }
0xf8: {  	vm0 =	vlt.s32 v6, $0x200  }
0xf9: {  	v6 =	vnsel vm0, $0x0, v7  }
0xfa: {  	[tilespmem:s2+$0x0] =	vst v6;
	s20 =	spop (v2sf);
	s2 =	smov.u32 s7  }
0xfb: {  	s28 =	sadd.s32 s28, s20;
	v7 =	vpop (erf)  }
0xfc: {  	v8 =	vmov s28;
	v7 =	vnsel vm0, $0x0, v7  }
0xfd: {  	v13 =	vadd.s32 $0xFFFFFFFF, v8;
	v8 =	vor.u32 s5, v0;
	[tilespmem:s0+$0x0] =	vst v7;
	s20 =	spop (v2sf);
	s0 =	smov.u32 s15;
	s5 =	smov.u32 s19  }
0xfe: {  	s3 =	sadd.s32 s3, s20;
	[tilespmem:v6+s14+$0x0] =	vst.idx.msk vm0, v8;
	s19 =	spop (v2sf)  }
0xff: {  	v25 =	vld [tilespmem:s18+$0x100];
	v6 =	vmov s3;
	s31 =	sadd.s32 s31, s19;
	s19 =	spop (v2sf)  }
0x100: {  	v21 =	vld [tilespmem:s18+$0x0];
	v8 =	vadd.s32 $0xFFFFFFFF, v6;
	v6 =	vmov s31;
	s26 =	sadd.s32 s26, s19;
	s19 =	spop (v2sf)  }
0x101: {  	v17 =	vld [tilespmem:s18+$0x80];
	v7 =	vmov s26;
	v6 =	vadd.s32 $0xFFFFFFFF, v6;
	s29 =	sadd.s32 s29, s19;
	s19 =	spop (v2sf)  }
0x102: {  	v15 =	vld [tilespmem:s18+$0x180];
	v10 =	vadd.s32 $0xFFFFFFFF, v7;
	v7 =	vmov s29;
	s30 =	sadd.s32 s30, s19;
	s19 =	spop (v2sf)  }
0x103: {  	v9 =	vmov s30;
	v11 =	vadd.s32 $0xFFFFFFFF, v7;
	s25 =	sadd.s32 s25, s19  }
0x104: {  	v18 =	vld [tilespmem:s18+$0x200];
	v9 =	vadd.s32 $0xFFFFFFFF, v9;
	v7 =	vmov s25  }
0x105: {  	v19 =	vld [tilespmem:s18+$0x280];
	v7 =	vadd.s32 $0xFFFFFFFF, v7  }
0x106: {  	v14 =	vld [tilespmem:s18+$0x300];
	v20 =	vmax.f32 v21, v17  }
0x107: {  	v16 =	vld [tilespmem:s18+$0x380];
	v20 =	vmax.f32 v20, v25  }
0x108: {  	v20 =	vmax.f32 v20, v15  }
0x109: {  	v20 =	vmax.f32 v20, v18  }
0x10a: {  	v20 =	vmax.f32 v20, v19  }
0x10b: {  	v20 =	vmax.f32 v20, v14  }
0x10c: {  	v20 =	vmax.f32 v20, v16  }
.Ltmp4:
0x10d: {  	vm10 =	veq.f32 v15, v20;
	v22 =	vsub.f32 v21, v20;
	v23 =	vsub.f32 v17, v20;
	(pc) =	sbr.rel @p2 .LBB2_5-.Ltmp4, $4  }
0x10e: {  	vm0 =	veq.f32 v14, v20;
	vm9 =	veq.f32 v21, v20;
	v21 =	vsub.f32 v25, v20  }
0x10f: {  	vm11 =	veq.f32 v19, v20;
	v26 =	vmul.f32 $1.442695020e+00, v22;
	v24 =	vmul.f32 $1.442695020e+00, v23  }
0x110: {  	v27 =	vsel vm0, $0x6, v1;
	v23 =	vmul.f32 $1.442695020e+00, v21;
	v22 =	vsub.f32 v18, v20  }
0x111: {  	vm12 =	veq.f32 v25, v20;
	v21 =	vsel vm11, $0x5, v27;
	(erf) = vpow2.f32 v26  }
0x112: {  	vm11 =	vne.f32 v17, v20;
	(erf) = vpow2.f32 v24  }
0x113: {  	v15 =	vsub.f32 v15, v20;
	v31 =	vsub.f32 v19, v20;
	vm13 =	veq.f32 v18, v20  }
0x114: {  	v16 =	vsub.f32 v16, v20;
	v33 =	vmul.f32 $1.442695020e+00, v22;
	vm0 =	vmor vm9, vm11  }
0x115: {  	(erf) = vpow2.f32 v23;
	vm0 =	vmneg vm0;
	v15 =	vmul.f32 $1.442695020e+00, v15  }
0x116: {  	v14 =	vsub.f32 v14, v20;
	v35 =	vsel vm9, $0x1, v2;
	v32 =	vsel vm0, $0x1, v2  }
0x117: {  	v36 =	vsel vm13, $0x4, v21;
	v34 =	vmul.f32 $1.442695020e+00, v16;
	(xrf0) =	vadd.scan.msk.s32 $0xffff, v32;
	(erf) = vpow2.f32 v15  }
0x118: {  	v17 =	vmul.f32 $1.442695020e+00, v31;
	v37 =	vsel vm10, $0x3, v36;
	(erf) = vpow2.f32 v33  }
0x119: {  	v38 =	vsel vm12, $0x2, v37;
	(xrf0) =	vadd.scan.msk.s32 $0xffff, v35;
	(erf) = vpow2.f32 v34  }
0x11a: {  	v14 =	vmul.f32 $1.442695020e+00, v14;
	v15 =	vnsel vm11, $0x1, v38;
	(erf) = vpow2.f32 v17  }
0x11b: {  	v15 =	vsel vm9, $0x0, v15;
	v39 =	vpop (erf)  }
0x11c: {  	vm14 =	veq.s32 v15, $0x2;
	(erf) = vpow2.f32 v14;
	v40 =	vpop (erf)  }
0x11d: {  	v43 =	vsel vm14, $0x1, v2;
	v16 =	vadd.f32 $0.0e+00, v39;
	v41, _, _ =	vpop (xrf0)  }
0x11e: {  	vm10 =	veq.s32 v15, $0x7;
	vm13 =	veq.s32 v15, $0x3;
	v42 =	vpop (erf);
	(xrf0) =	vadd.scan.msk.s32 $0xffff, v43  }
0x11f: {  	vm12 =	veq.s32 v15, $0x6;
	v45 =	vsel vm10, $0x1, v2;
	v14 =	vadd.f32 v16, v40;
	v44, _, _ =	vpop (xrf0)  }
0x120: {  	vm0 =	veq.s32 v15, $0x4;
	v46 =	vsel vm13, $0x1, v2;
	(xrf0) =	vadd.scan.msk.s32 $0xffff, v45;
	(v2sf) =	vpush v41, $0xF;
	v47 =	vpop (erf)  }
0x121: {  	v48 =	vsel vm12, $0x1, v2;
	(xrf0) =	vadd.scan.msk.s32 $0xffff, v46;
	(v2sf) =	vpush v44, $0xF;
	v14 =	vadd.f32 v14, v42;
	v49 =	vpop (erf)  }
0x122: {  	v51 =	vsel vm0, $0x1, v2;
	(xrf0) =	vadd.scan.msk.s32 $0xffff, v48;
	v50 =	vpop (erf)  }
0x123: {  	vm15 =	veq.s32 v15, $0x5;
	(xrf0) =	vadd.scan.msk.s32 $0xffff, v51;
	v14 =	vadd.f32 v14, v47;
	v52 =	vpop (erf)  }
0x124: {  	v54 =	vsel vm15, $0x1, v2;
	v55, _, _ =	vpop (xrf0)  }
0x125: {  	(xrf0) =	vadd.scan.msk.s32 $0xffff, v54;
	v14 =	vadd.f32 v14, v49;
	v53 =	vpop (erf)  }
0x126: {  	v12 =	vbroadcast v12, $0x0;
	(v2sf) =	vpush v55, $0xF;
	v56, _, _ =	vpop (xrf0)  }
0x127: {  	v13 =	vbroadcast v13, $0x0;
	v57, _, _ =	vpop (xrf0);
	(v2sf) =	vpush v56, $0xF;
	v14 =	vadd.f32 v14, v52  }
0x128: {  	v8 =	vbroadcast v8, $0x0;
	v10 =	vbroadcast v10, $0x0;
	(v2sf) =	vpush v57, $0xF;
	v58, _, _ =	vpop (xrf0)  }
0x129: {  	v9 =	vbroadcast v9, $0x0;
	(v2sf) =	vpush v58, $0xF;
	v60, _, _ =	vpop (xrf0);
	v14 =	vadd.f32 v14, v53  }
0x12a: {  	v7 =	vbroadcast v7, $0x0;
	v12 =	vadd.s32 v12, v41;
	(v2sf) =	vpush v60, $0xF  }
0x12b: {  	v13 =	vadd.s32 v13, v44;
	v12 =	vsel vm11, $0x0, v12;
	v61, _, _ =	vpop (xrf0);
	v59 =	vadd.f32 v14, v50  }
0x12c: {  	v12 =	vsel vm9, v13, v12;
	v8 =	vadd.s32 v8, v55;
	(v2sf) =	vpush v61, $0xF  }
0x12d: {  	v8 =	vsel vm14, v8, v12;
	v10 =	vadd.s32 v10, v57;
	(erf) = vrcp.f32 v59  }
0x12e: {  	v11 =	vbroadcast v11, $0x0;
	v8 =	vsel vm13, v10, v8;
	v9 =	vadd.s32 v9, v60  }
0x12f: {  	v6 =	vbroadcast v6, $0x0;
	v8 =	vsel vm0, v9, v8;
	v7 =	vadd.s32 v7, v61;
	s6 =	spop (v2sf)  }
0x130: {  	v62 =	vadd.s32 v11, v58;
	v7 =	vsel vm15, v7, v8;
	s7 =	spop (v2sf)  }
0x131: {  	v6 =	vadd.s32 v6, v56;
	v7 =	vsel vm12, v62, v7;
	s7 =	sadd.s32 s28, s7  }
0x132: {  	v6 =	vsel vm10, v6, v7;
	v7 =	vshll.u32 v15, $0x9;
	p2 =	slt.s32 @!p1 s7, $0x200  }
0x133: {  	v7 =	vadd.s32 v7, v6;
	vm0 =	vlt.s32 v6, $0x200;
	s6 =	sadd.s32 s24, s6;
	p2 =	por !p2, p1  }
0x134: {  	v6 =	vnsel vm0, $0x0, v7;
	s7 =	simm.s32 @p2 $0x200;
	p2 =	slt.s32 @!p1 s6, $0x200  }
0x135: {  	s24 =	rddreg [dreg:$0x3];
	s15 =	spop (v2sf);
	p2 =	por !p2, p1  }
0x136: {  	s19 =	spop (v2sf);
	s3 =	sadd.s32 s3, s15;
	s6 =	simm.s32 @p2 $0x200;
	v7 =	vpop (erf)  }
0x137: {  	[tilespmem:s2+$0x0] =	vst v6;
	s20 =	spop (v2sf);
	s2 =	sadd.s32 s31, s19;
	p3 =	slt.s32 @!p1 s3, $0x200;
	v7 =	vnsel vm0, $0x0, v7  }
0x138: {  	v63 =	vor.u32 s5, v0;
	s21 =	spop (v2sf);
	p2 =	por !p3, p1;
	[tilespmem:s0+$0x0] =	vst v7;
	s0 =	sadd.s32 s26, s20  }
0x139: {  	s26 =	spop (v2sf);
	s5 =	sadd.s32 s29, s21;
	s3 =	simm.s32 @p2 $0x200;
	[tilespmem:v6+s14+$0x0] =	vst.idx.msk vm0, v63  }
0x13a: {  	v6 =	vmov @!p1 s7;
	vm0 =	vcmask @!p1 $0x300;
	[spmem:s24] =	stream.linear.scatter [tilespmem:s14], [sflag:$0x2], $0x1000, $0x38;
	[tilespmem:$0x1E200] =	vst v63  }
0x13b: {  	s15 =	sadd.s32 s30, s26;
	p3 =	slt.s32 @!p1 s0, $0x200;
	s17 =	spop (v2sf);
	v6 =	vnsel @!p1 vm0, $0x0, v6  }
0x13c: {  	p2 =	por !p3, p1;
	p3 =	slt.s32 @!p1 s15, $0x200;
	s17 =	sadd.s32 s25, s17;
	v6 =	vsel @!p1 vm1, s6, v6  }
0x13d: {  	s0 =	simm.s32 @p2 $0x200;
	p2 =	por !p3, p1;
	p3 =	slt.s32 @!p1 s17, $0x200;
	v6 =	vsel @!p1 vm2, s3, v6  }
0x13e: {  	s15 =	simm.s32 @p2 $0x200;
	p2 =	por !p3, p1;
	p3 =	slt.s32 @!p1 s5, $0x200;
	v6 =	vsel @!p1 vm3, s0, v6  }
0x13f: {  	s17 =	simm.s32 @p2 $0x200;
	p2 =	por !p3, p1;
	p3 =	slt.s32 @!p1 s2, $0x200;
	v6 =	vsel @!p1 vm4, s15, v6  }
0x140: {  	_ =	swait.ge [sflag:s13], $0x1000;
	s5 =	simm.s32 @p2 $0x200;
	p2 =	por !p3, p1;
	v6 =	vsel @!p1 vm5, s17, v6  }
0x141: {  	s18 =	simm.s32 $0xA200;
	[sflag:s13] =	ssyncset.done $0x0;
	s2 =	simm.s32 @p2 $0x200;
	v6 =	vsel @!p1 vm6, s5, v6  }
0x142: {  	s28 =	simm.s32 $0xD200;
	s19 =	simm.s32 $0xAA00;
	[sflag:s13] =	ssyncadd.s32 $0xFFFFF000;
	v6 =	vsel @!p1 vm7, s2, v6  }
0x143: {  	s3 =	rddreg [dreg:$0x5];
	s0 =	simm.s32 @!p1 $0x0;
	s2 =	simm.s32 @!p1 $0x5000;
	[tilespmem:$0x6000] =	vst @!p1 v6  }
0x144: {  	[hbm4b:s3+s0] =	stream.linear.scatter @!p1 [tilespmem:s2], [sflag:$0x2], $0x800, $0x38;
	[tilespmem:$0x1E200] =	vst v63  }
0x145: {  	s31 =	simm.s32 $0xEA00;
	s20 =	simm.s32 $0xB200;
	s2 =	simm.s32 @!p1 $0x2  }
0x146: {  	s29 =	simm.s32 $0xDA00;
	s7 =	simm.s32 $0x8A00;
	_ =	swait.ge @!p1 [sflag:s2], $0x800  }
0x147: {  	s26 =	simm.s32 $0xCA00;
	s30 =	simm.s32 $0xE200;
	[sflag:s2] =	ssyncset.done @!p1 $0x0  }
0x148: {  	s3 =	simm.s32 @!p1 $0x5800;
	s5 =	rddreg [dreg:$0x6];
	[sflag:s2] =	ssyncadd.s32 @!p1 $0xFFFFF800  }
0x149: {  	[hbm4b:s5+s0] =	stream.linear.scatter @!p1 [tilespmem:s3], [sflag:$0x2], $0x800, $0x38;
	[tilespmem:$0x1E200] =	vst v63  }
0x14a: {  	s24 =	simm.s32 $0xBA00;
	s6 =	simm.s32 $0x8200;
	_ =	swait.ge @!p1 [sflag:s2], $0x800  }
0x14b: {  	s25 =	simm.s32 $0xC200;
	s3 =	simm.s32 @!p1 $0x6000;
	[sflag:s2] =	ssyncset.done @!p1 $0x0  }
.Ltmp5:
0x14c: {  	s5 =	rddreg [dreg:$0x7];
	[sflag:s2] =	ssyncadd.s32 @!p1 $0xFFFFF800;
	(pc) =	sbr.rel .LBB2_7-.Ltmp5, $4  }
0x14d: {  	[hbm4b:s5+s0] =	stream.linear.scatter @!p1 [tilespmem:s3], [sflag:$0x2], $0x80, $0x38;
	[tilespmem:$0x1E200] =	vst v63  }
0x14e: {  	s15 =	simm.s32 $0x9200;
	s17 =	simm.s32 $0x9A00;
	_ =	swait.ge @!p1 [sflag:s2], $0x80  }
0x14f: {  	s0 =	simm.s32 $0x6180;
	s3 =	simm.s32 $0x7200;
	[sflag:s2] =	ssyncset.done @!p1 $0x0  }
0x150: {  	s5 =	simm.s32 $0x7A00;
	[sflag:s2] =	ssyncadd.s32 @!p1 $0xFFFFFF80;
	s2 =	simm.s32 $0x6A00  }
.LBB2_8:
0x151: {  	_ =	sfence.sel $0x180000  }
0x152: {  	[bflag:$0x0] =	sbarrier.arrive $0xFFFF  }
0x153: {  	_ =	strace $0x90000047  }
0x154: {  	[bflag:$0x2] =	sbarrier.arrive $0xFFFF  }
0x155: {  	s0 =	rddreg [dreg:$0x4]  }
0x156: {  	s0 =	sadd.s32 @!p0 $0x100000, s0  }
0x157: {  	[sflag:s0] =	ssyncadd.tile.s32 @!p0 $0x1;
	_ =	shalt  }
.Lfunc_end2:
_tile_overlayer_lowered:
.L_overlay_start_2:
0x158: {  	(tag) =	ssettag $0x2  }
0x159: {  	s0 =	rddreg [dreg:$0x0];
	s2 =	stileid.u32  }
0x15a: {  	s1 =	rddreg [dreg:$0x1];
	p0 =	sne.s32 s2, $0x0  }
0x15b: {  	s3 =	rddreg [dreg:$0x2];
	[bflag:$0x3] =	sbarrier.arrive $0xFFFF;
	s2 =	simm.s32 @!p0 $0x1C02  }
0x15c: {  	[timem:s3], [sflag:s2] =	dma.local @!p0 [hbm:s0], s1  }
0x15d: {  	s0 =	simm.s32 @!p0 $0x2  }
0x15e: {  	_ =	swait.ge @!p0 [sflag:s0], s1  }
0x15f: {  	s1 =	ssub.s32 @!p0 $0x0, s1;
	[sflag:s0] =	ssyncset.done @!p0 $0x0  }
0x160: {  	[sflag:s0] =	ssyncadd.s32 @!p0 s1  }
0x161: {  	[bflag:$0x3] =	sbarrier.arrive $0xFFFF  }
0x162: {  	_ =	shalt  }

// kernel: kernel.9.cloned.1.call-start
scs
__scs_entry_jumppad:
0x0: {  	(pc) =	sbr.rel $0x88, $3  }
0x1: {  	(tag) =	ssettag $0x0;
	lr =	simm.s32 $0x1  }
0x2: {  	[smem:$0x3F9D] =	sst lr;
	_ =	strace $0xD0000000  }
0x3: {  	_ = 	snop  }
0x4: {  	_ = 	snop  }
0x5: {  	_ = 	snop  }
0x6: {  	_ = 	snop  }
0x7: {  	_ = 	snop  }
__scs_overlays_trampoline_lowered:
0x8: {  	[smem:$0x3FAC] =	sst s0  }
0x9: {  	[smem:$0x3FAD] =	sst s1  }
0xa: {  	[smem:$0x3FAE] =	sst s2  }
0xb: {  	[smem:$0x3FAF] =	sst s3  }
0xc: {  	[smem:$0x3FB0] =	sst s4  }
0xd: {  	[smem:$0x3FB1] =	sst s5  }
0xe: {  	[smem:$0x3FB2] =	sst s6  }
0xf: {  	[smem:$0x3FB3] =	sst s7  }
0x10: {  	[smem:$0x3FB4] =	sst s8  }
0x11: {  	[smem:$0x3FB5] =	sst s9;
	s0 =	simm.s32 @!p0 $0x0  }
0x12: {  	s1 =	sld [smem:$0x3F9B];
	s0 =	simm.s32 @p0 $0x1  }
0x13: {  	[smem:$0x3FB6] =	sst s0;
	s0 =	simm.s32 @!p1 $0x0  }
0x14: {  	s2 =	sld [smem:$0x3F9A];
	s0 =	simm.s32 @p1 $0x1  }
0x15: {  	[smem:$0x3FB7] =	sst s0;
	s0 =	simm.s32 @!p2 $0x0  }
0x16: {  	s3 =	sld [smem:$0x3FDB];
	s0 =	simm.s32 @p2 $0x1  }
0x17: {  	s4 =	simm.s32 $0x1BF5;
	[smem:$0x3FB9] =	sst s0  }
0x18: {  	s0 =	sld [smem:$0x3F9C];
	_ =	swait.ge [sflag:s4], $0x0  }
0x19: {  	s7 =	sld [smem:$0x3F9D]  }
0x1a: {  	s8 =	sadd.s32 $0xFFFFE003, lr  }
0x1b: {  	s9 =	sadd.s32 $0xFFFFFEF7, lr;
	s5 =	simm.s32 $0xFFFFFFFF;
	p2 =	slt.u32 s8, $0xFFFFF086  }
0x1c: {  	p1 =	slt.u32 s9, $0xF7A;
	s5 =	simm.s32 @!p2 $0x0  }
0x1d: {  	s5 =	simm.s32 @p1 $0x1;
	p0 =	seq.s32 s7, s2  }
0x1e: {  	s7 =	smul.u32 @!p0 $0xF7A, s2;
	p2 =	seq.s32 @!p0 s5, $0x0  }
0x1f: {  	s9 =	smul.u32 $0xF7A, s1;
	s8 =	simm.s32 @!p0 $0x1BF5;
	p2 =	por !p2, p0  }
0x20: {  	[sflag:s8] =	ssyncset.s32 @!p0 $0xFFFFF086;
	s6 =	sadd.s32 @!p0 s3, s7;
	s7 =	simm.s32 @!p0 $0x108  }
0x21: {  	s3 =	sadd.s32 s3, s9;
	s6 =	sadd.s32 @!p0 $0x88, s6;
	s7 =	simm.s32 @p2 $0x1082  }
0x22: {  	[simem:s7], [sflag:s8] =	dma.local @!p0 [hbm:s6], $0xF7A  }
0x23: {  	s9 =	sor.u32 $0xD0000000, s2;
	s6 =	simm.s32 $0x108;
	_ =	swait.ge @!p0 [sflag:s8], $0x0  }
0x24: {  	s3 =	sadd.s32 $0x88, s3;
	s6 =	simm.s32 @!p1 $0x1082;
	[sflag:s4] =	ssyncset.s32 $0xFFFFF086  }
0x25: {  	[simem:s6], [sflag:s4] =	dma.local [hbm:s3], $0xF7A  }
0x26: {  	[smem:$0x3F9D] =	sst s1;
	(tag) =	ssettag s2;
	_ =	strace s9  }
0x27: {  	s1 =	sld [smem:$0x3FAD]  }
0x28: {  	s2 =	sld [smem:$0x3FAE]  }
0x29: {  	s4 =	sld [smem:$0x3FB0]  }
0x2a: {  	p0 =	seq.s32 s5, $0x0;
	s5 =	sld [smem:$0x3FB1]  }
0x2b: {  	s6 =	sld [smem:$0x3FB2]  }
0x2c: {  	s7 =	sld [smem:$0x3FB3]  }
0x2d: {  	s3 =	simm.s32 $0x108;
	s8 =	sld [smem:$0x3FB4]  }
0x2e: {  	s3 =	simm.s32 @!p0 $0x1082;
	s9 =	sld [smem:$0x3FB5]  }
0x2f: {  	lr =	sadd.s32 s0, s3;
	s0 =	sld [smem:$0x3FAC]  }
0x30: {  	s3 =	sld [smem:$0x3FAF]  }
0x31: {  	[smem:$0x3FB8] =	sst s10  }
0x32: {  	s10 =	sld [smem:$0x3FB6];
	_ =	sdelay $0x3  }
0x33: {  	p0 =	seq.s32 s10, $0x1;
	s10 =	sld [smem:$0x3FB8];
	_ =	sdelay $0x3  }
0x34: {  	[smem:$0x3FB8] =	sst s10  }
0x35: {  	s10 =	sld [smem:$0x3FB7];
	_ =	sdelay $0x3  }
0x36: {  	p1 =	seq.s32 s10, $0x1;
	s10 =	sld [smem:$0x3FB8];
	_ =	sdelay $0x3  }
0x37: {  	[smem:$0x3FB8] =	sst s10  }
0x38: {  	s10 =	sld [smem:$0x3FB9]  }
0x39: {  	_ = 	snop;
	(pc) =	sbr.ind lr, $3  }
0x3a: {  	_ = 	snop  }
0x3b: {  	_ = 	snop  }
0x3c: {  	p2 =	seq.s32 s10, $0x1;
	s10 =	sld [smem:$0x3FB8]  }
0x3d: {  	_ =	shalt  }
0x3e: {  	_ =	shalt  }
0x3f: {  	_ =	shalt  }
0x40: {  	_ =	shalt  }
0x41: {  	_ =	shalt  }
0x42: {  	_ =	shalt  }
0x43: {  	_ =	shalt  }
0x44: {  	_ =	shalt  }
0x45: {  	_ =	shalt  }
0x46: {  	_ =	shalt  }
0x47: {  	_ =	shalt  }
0x48: {  	_ =	shalt  }
0x49: {  	_ =	shalt  }
0x4a: {  	_ =	shalt  }
0x4b: {  	_ =	shalt  }
0x4c: {  	_ =	shalt  }
0x4d: {  	_ =	shalt  }
0x4e: {  	_ =	shalt  }
0x4f: {  	_ =	shalt  }
0x50: {  	_ =	shalt  }
0x51: {  	_ =	shalt  }
0x52: {  	_ =	shalt  }
0x53: {  	_ =	shalt  }
0x54: {  	_ =	shalt  }
0x55: {  	_ =	shalt  }
0x56: {  	_ =	shalt  }
0x57: {  	_ =	shalt  }
0x58: {  	_ =	shalt  }
0x59: {  	_ =	shalt  }
0x5a: {  	_ =	shalt  }
0x5b: {  	_ =	shalt  }
0x5c: {  	_ =	shalt  }
0x5d: {  	_ =	shalt  }
0x5e: {  	_ =	shalt  }
0x5f: {  	_ =	shalt  }
0x60: {  	_ =	shalt  }
0x61: {  	_ =	shalt  }
0x62: {  	_ =	shalt  }
0x63: {  	_ =	shalt  }
0x64: {  	_ =	shalt  }
0x65: {  	_ =	shalt  }
0x66: {  	_ =	shalt  }
0x67: {  	_ =	shalt  }
0x68: {  	_ =	shalt  }
0x69: {  	_ =	shalt  }
0x6a: {  	_ =	shalt  }
0x6b: {  	_ =	shalt  }
0x6c: {  	_ =	shalt  }
0x6d: {  	_ =	shalt  }
0x6e: {  	_ =	shalt  }
0x6f: {  	_ =	shalt  }
0x70: {  	_ =	shalt  }
0x71: {  	_ =	shalt  }
0x72: {  	_ =	shalt  }
0x73: {  	_ =	shalt  }
0x74: {  	_ =	shalt  }
0x75: {  	_ =	shalt  }
0x76: {  	_ =	shalt  }
0x77: {  	_ =	shalt  }
0x78: {  	_ =	shalt  }
0x79: {  	_ =	shalt  }
0x7a: {  	_ =	shalt  }
0x7b: {  	_ =	shalt  }
0x7c: {  	_ =	shalt  }
0x7d: {  	_ =	shalt  }
0x7e: {  	_ =	shalt  }
0x7f: {  	_ =	shalt  }
0x80: {  	_ =	shalt  }
0x81: {  	_ =	shalt  }
0x82: {  	_ =	shalt  }
0x83: {  	_ =	shalt  }
0x84: {  	_ =	shalt  }
0x85: {  	_ =	shalt  }
0x86: {  	_ =	shalt  }
0x87: {  	_ =	shalt  }
.Lfunc_end0:
.L_simem_size_0:
called_computation.1_lowered:
.L_overlay_start_0:
0x88: {  	s2 =	sld [smem:$0x3FD9]  }
0x89: {  	s3 =	sld [smem:$0x3FFE];
	_ =	sdelay $0x1  }
0x8a: {  	s1 =	srdreg.scid  }
0x8b: {  	s0 =	sand.u32 $0x1, s1  }
0x8c: {  	s17 =	sshll.u32 s0, $0xA;
	s2 =	sadd.s32 s3, s2  }
0x8d: {  	s2 =	sadd.s32 s2, s17  }
0x8e: {  	[smem:$0x3FC4] =	sst s2  }
0x8f: {  	_ = 	snop  }
0x90: {  	s2 =	sld [smem:$0x3FD0];
	(tm) =	ssettm $0x1  }
0x91: {  	s18 =	sld [smem:$0x3FFB];
	_ =	sdelay $0x3  }
0x92: {  	_ =	strace s18  }
0x93: {  	s3 =	sld [smem:$0x3FFC];
	_ =	sdelay $0x3  }
0x94: {  	_ =	strace s3  }
0x95: {  	s3 =	sld [smem:$0x3FFD];
	_ =	sdelay $0x3  }
0x96: {  	_ =	strace s3  }
0x97: {  	_ =	strace $0x8FFFFFFF  }
0x98: {  	s19 =	sld [smem:$0x3FDB];
	_ =	sdelay $0x1  }
0x99: {  	s4 =	simm.s32 $_scs_section_size  }
0x9a: {  	s5 =	simm.s32 $_size__tile_overlayer_lowered;
	s6 =	simm.s32 $_tile_overlayer_lowered  }
0x9b: {  	s22 =	simm.s32 $0x1BFF;
	s21 =	sshll.u32 s6, $0x1;
	s3 =	sadd.s32 s4, s19  }
0x9c: {  	s7 =	simm.s32 $0x0;
	s20 =	sshll.u32 s5, $0x1;
	s5 =	sadd.s32 s21, s3  }
0x9d: {  	[timem:s7], [sflag:s22] =	dma.local [hbm:s5], s20  }
0x9e: {  	_ =	swait.ge [sflag:s22], s20  }
0x9f: {  	s4 =	ssub.s32 $0x0, s20;
	[sflag:s22] =	ssyncset.done $0x0  }
0xa0: {  	[sflag:s22] =	ssyncadd.s32 s4;
	_ =	sdelay $0x1  }
0xa1: {  	s23 =	simm.s32 $0x1B8B  }
0xa2: {  	_ =	swait.ge [sflag:s23], $0x1  }
0xa3: {  	[sflag:s23] =	ssyncset.done $0x0  }
0xa4: {  	s25 =	simm.s32 $0x1B8E;
	s24 =	sld [smem:$0x3FFE];
	[sflag:s23] =	ssyncadd.s32 $0xFFFFFFFF  }
0xa5: {  	s26 =	simm.s32 $execute0_lowered;
	[smem:$0x3FD2] =	sst s25  }
0xa6: {  	s5 =	sshll.u32 s26, $0x1;
	_ =	strace $0x80000049;
	[dreg:$0x1] =	wrdreg $0xFFFFFFFF  }
0xa7: {  	s28 =	simm.s32 $_size_execute0_lowered;
	s3 =	sadd.s32 s3, s5;
	[dreg:$0x0] =	wrdreg $0x0  }
0xa8: {  	s5 =	sshll.u32 s28, $0x1;
	[dreg:$0x2] =	wrdreg s3  }
0xa9: {  	[dreg:$0x3] =	wrdreg s5  }
0xaa: {  	[dreg:$0x4] =	wrdreg $0xC0  }
0xab: {  	_ =	task [dreg:s7], $0x5FFFF  }
0xac: {  	[dreg:$0x1] =	wrdreg $0xFFFFFFFF  }
0xad: {  	[dreg:$0x0] =	wrdreg $0x60  }
0xae: {  	[dreg:$0x2] =	wrdreg s24  }
0xaf: {  	[dreg:$0x3] =	wrdreg s2  }
0xb0: {  	[dreg:$0x4] =	wrdreg $0x9  }
0xb1: {  	_ =	task.clear_ibuf [dreg:s7], $0x5FFFF;
	_ =	strace $0x90000049  }
0xb2: {  	s29 =	simm.s32 $0x9;
	_ =	strace $0x8000004B  }
0xb3: {  	_ =	swait.ge [sflag:s29], $0x1  }
0xb4: {  	[sflag:s29] =	ssyncadd.s32 $0xFFFFFFFF  }
0xb5: {  	_ =	strace $0x9000004B  }
0xb6: {  	_ =	sfence  }
0xb7: {  	s30 =	sld [smem:$0x0];
	_ =	sdelay $0x2  }
0xb8: {  	s31 =	sshll.u32 s1, $0xD;
	s1 =	sshrl.u32 s1, $0x2  }
0xb9: {  	s3 =	sand.u32 $0x4000, s31;
	s1 =	sadd.s32 s1, s30  }
0xba: {  	s0 =	sor.u32 s3, s0;
	s1 =	sshll.u32 s1, $0x11  }
0xbb: {  	s0 =	sor.u32 s1, s0  }
0xbc: {  	s0 =	sadd.s32 $0x8F2B, s0  }
0xbd: {  	[sflag:s0] =	ssyncadd.remote.s32 $0x1  }
0xbe: {  	_ =	sfence.sel $0xFFFF  }
0xbf: {  	[dreg:$0x0] =	wrdreg $0xFFFFFFFF;
	(pc) =	sbr.abs _section_cstart, $3  }
0xc0: {  	[dreg:$0x1] =	wrdreg $0xFFFFFFFF  }
0xc1: {  	_ =	task.clear_ibuf [dreg:s7], $0x2FFFF;
	_ =	strace $0x9FFFFFFF  }
0xc2: {  	(tm) =	ssettm $0x7FFFFFFF  }
0xc3: {  	_ =	shalt  }
tec
execute0_lowered:
.L_overlay_start_1:
0x0: {  	(tag) =	ssettag $0x1  }
0x1: {  	s0 =	rddreg [dreg:$0x0]  }
0x2: {  	s1 =	rddreg [dreg:$0x1];
	s3 =	srdreg.scid  }
0x3: {  	s2 =	simm.s32 $0x0;
	s4 =	stileid.u32;
	s10 =	simm.s32 $0x2  }
0x4: {  	s11 =	simm.s32 $0x80;
	s12 =	simm.s32 $0x100;
	s22 =	simm.s32 $0x5100  }
0x5: {  	s23 =	simm.s32 $0x5900;
	s24 =	simm.s32 $0x6100;
	s25 =	simm.s32 $0x6900  }
0x6: {  	s28 =	simm.s32 $0x7900;
	s29 =	simm.s32 $0x8100;
	s30 =	simm.s32 $0x8900  }
0x7: {  	s31 =	simm.s32 $0x9100;
	s13 =	simm.s32 $0xA900;
	s14 =	simm.s32 $0xB100  }
0x8: {  	s15 =	simm.s32 $0xB900;
	s16 =	simm.s32 $0x1;
	s17 =	simm.s32 $0x0  }
0x9: {  	s3 =	sand.u32 $0x1, s3;
	[smem:$0x7FF] =	sst s2;
	s4 =	sshll.u32 s4, $0x4  }
0xa: {  	s5 =	sshll.u32 s3, $0x3;
	_ =	strace $0x8000004A;
	s26 =	ssub.s32 $0x2, s3  }
0xb: {  	s3 =	sadd.s32 $0x1600, s0;
	s5 =	sor.u32 s5, s4;
	s7 =	sshrl.u32 s26, $0x1  }
0xc: {  	s6 =	sadd.s32 s5, s0;
	s9 =	ssub.s32 s26, s7;
	s8 =	smul.u32 $0x300, s5  }
0xd: {  	v2 =	vlaneseq.u32;
	s7 =	sadd.s32 $0x1800, s0;
	s26 =	simm.s32 $0x7100;
	s4 =	sadd.s32 $0x61800, s6  }
0xe: {  	vm0 =	vmmov $0xffff;
	v1 =	vshrl.u32 v2, $0x3;
	s5 =	sadd.s32 $0x61A00, s6;
	s6 =	sadd.s32 $0x1700, s0;
	s9 =	smax.u32 s9, $0x1  }
0xf: {  	v0 =	vand.u32 $0x7, v2;
	v2 =	vor.u32 $0x8, v2;
	v1 =	vmul.u32 $0x8, v1;
	s0 =	simm.s32 $0x9900;
	s8 =	sadd.s32 s1, s8;
	s1 =	simm.s32 $0xA100  }
.LBB2_1:
0x10: {  	[tilespmem:s2], [sflag:$0x2] =	stream.linear.gather [hbm4b:s4+s2], $0x40, $0x38;
	[tilespmem:$0xC100] =	vst v63  }
0x11: {  	_ =	swait.ge [sflag:s10], $0x40  }
0x12: {  	[sflag:s10] =	ssyncset.done $0x0  }
0x13: {  	[sflag:s10] =	ssyncadd.s32 $0xFFFFFFC0  }
0x14: {  	[tilespmem:s11], [sflag:$0x2] =	stream.linear.gather [hbm4b:s5+s2], $0x40, $0x38;
	[tilespmem:$0xC100] =	vst v63  }
0x15: {  	_ =	swait.ge [sflag:s10], $0x40  }
0x16: {  	[sflag:s10] =	ssyncset.done $0x0  }
0x17: {  	[sflag:s10] =	ssyncadd.s32 $0xFFFFFFC0  }
0x18: {  	v3 =	vld [tilespmem:$0x0];
	_ =	sdelay $0x4  }
0x19: {  	v4 =	vshrl.u32 v3, $0x3  }
0x1a: {  	v4 =	vmul.u32 $0x30, v4  }
0x1b: {  	v3 =	vand.u32 $0x7, v3  }
0x1c: {  	v3 =	vor.u32 v3, v4  }
0x1d: {  	v4 =	vperm.xlane v3, v0;
	_ =	sdelay $0x1  }
0x1e: {  	v4 =	vadd.s32 v1, v4;
	_ =	sdelay $0x3  }
0x1f: {  	v3 =	vperm.xlane v3, v2  }
0x20: {  	[tilespmem:s12], [sflag:$0x1] =	stream.indirect_vreg.gather [hbm4b:s3+s2], $0x80, v4, vm0, $0xb8;
	[tilespmem:$0xC100] =	vst v63  }
0x21: {  	s18 =	simm.s32 $0x900;
	v3 =	vadd.s32 v1, v3  }
0x22: {  	[tilespmem:s18], [sflag:$0x1] =	stream.indirect_vreg.gather [hbm4b:s6+s2], $0x80, v4, vm0, $0xb8;
	[tilespmem:$0xC100] =	vst v63  }
0x23: {  	s20 =	simm.s32 $0x1100  }
0x24: {  	[tilespmem:s20], [sflag:$0x1] =	stream.indirect_vreg.gather [hbm4b:s7+s2], $0x80, v4, vm0, $0xb8;
	[tilespmem:$0xC100] =	vst v63  }
0x25: {  	s21 =	simm.s32 $0x1900  }
0x26: {  	[tilespmem:s21], [sflag:$0x1] =	stream.indirect_vreg.gather [hbm4b:s3+s2], $0x80, v3, vm0, $0xb8;
	[tilespmem:$0xC100] =	vst v63  }
0x27: {  	s19 =	simm.s32 $0x2100  }
0x28: {  	[tilespmem:s19], [sflag:$0x1] =	stream.indirect_vreg.gather [hbm4b:s6+s2], $0x80, v3, vm0, $0xb8;
	[tilespmem:$0xC100] =	vst v63  }
0x29: {  	s20 =	simm.s32 $0x2900  }
0x2a: {  	[tilespmem:s20], [sflag:$0x1] =	stream.indirect_vreg.gather [hbm4b:s7+s2], $0x80, v3, vm0, $0xb8;
	[tilespmem:$0xC100] =	vst v63  }
0x2b: {  	v3 =	vld [tilespmem:$0x10];
	_ =	sdelay $0x4  }
0x2c: {  	v61 =	vshrl.u32 v3, $0x3  }
0x2d: {  	v4 =	vmul.u32 $0x30, v61  }
0x2e: {  	v3 =	vand.u32 $0x7, v3  }
0x2f: {  	v3 =	vor.u32 v3, v4  }
0x30: {  	v4 =	vperm.xlane v3, v0;
	_ =	sdelay $0x1  }
0x31: {  	v4 =	vadd.s32 v1, v4;
	_ =	sdelay $0x3  }
0x32: {  	s21 =	simm.s32 $0x3100;
	v3 =	vperm.xlane v3, v2  }
0x33: {  	[tilespmem:s21], [sflag:$0x1] =	stream.indirect_vreg.gather [hbm4b:s3+s2], $0x80, v4, vm0, $0xb8;
	[tilespmem:$0xC100] =	vst v63  }
0x34: {  	s19 =	simm.s32 $0x3900;
	v3 =	vadd.s32 v1, v3  }
0x35: {  	[tilespmem:s19], [sflag:$0x1] =	stream.indirect_vreg.gather [hbm4b:s6+s2], $0x80, v4, vm0, $0xb8;
	[tilespmem:$0xC100] =	vst v63  }
0x36: {  	s20 =	simm.s32 $0x4100  }
0x37: {  	[tilespmem:s20], [sflag:$0x1] =	stream.indirect_vreg.gather [hbm4b:s7+s2], $0x80, v4, vm0, $0xb8;
	[tilespmem:$0xC100] =	vst v63  }
0x38: {  	s21 =	simm.s32 $0x4900  }
0x39: {  	[tilespmem:s21], [sflag:$0x1] =	stream.indirect_vreg.gather [hbm4b:s3+s2], $0x80, v3, vm0, $0xb8;
	[tilespmem:$0xC100] =	vst v63  }
0x3a: {  	_ = 	snop  }
0x3b: {  	[tilespmem:s22], [sflag:$0x1] =	stream.indirect_vreg.gather [hbm4b:s6+s2], $0x80, v3, vm0, $0xb8;
	[tilespmem:$0xC100] =	vst v63  }
0x3c: {  	_ = 	snop  }
0x3d: {  	[tilespmem:s23], [sflag:$0x1] =	stream.indirect_vreg.gather [hbm4b:s7+s2], $0x80, v3, vm0, $0xb8;
	[tilespmem:$0xC100] =	vst v63  }
0x3e: {  	v3 =	vld [tilespmem:$0x20];
	_ =	sdelay $0x4  }
0x3f: {  	v62 =	vshrl.u32 v3, $0x3  }
0x40: {  	v4 =	vmul.u32 $0x30, v62  }
0x41: {  	v3 =	vand.u32 $0x7, v3  }
0x42: {  	v3 =	vor.u32 v3, v4  }
0x43: {  	v4 =	vperm.xlane v3, v0;
	_ =	sdelay $0x1  }
0x44: {  	v4 =	vadd.s32 v1, v4;
	_ =	sdelay $0x3  }
0x45: {  	v3 =	vperm.xlane v3, v2  }
0x46: {  	[tilespmem:s24], [sflag:$0x1] =	stream.indirect_vreg.gather [hbm4b:s3+s2], $0x80, v4, vm0, $0xb8;
	[tilespmem:$0xC100] =	vst v63  }
0x47: {  	v3 =	vadd.s32 v1, v3  }
0x48: {  	[tilespmem:s25], [sflag:$0x1] =	stream.indirect_vreg.gather [hbm4b:s6+s2], $0x80, v4, vm0, $0xb8;
	[tilespmem:$0xC100] =	vst v63  }
0x49: {  	_ = 	snop  }
0x4a: {  	[tilespmem:s26], [sflag:$0x1] =	stream.indirect_vreg.gather [hbm4b:s7+s2], $0x80, v4, vm0, $0xb8;
	[tilespmem:$0xC100] =	vst v63  }
0x4b: {  	_ = 	snop  }
0x4c: {  	[tilespmem:s28], [sflag:$0x1] =	stream.indirect_vreg.gather [hbm4b:s3+s2], $0x80, v3, vm0, $0xb8;
	[tilespmem:$0xC100] =	vst v63  }
0x4d: {  	_ = 	snop  }
0x4e: {  	[tilespmem:s29], [sflag:$0x1] =	stream.indirect_vreg.gather [hbm4b:s6+s2], $0x80, v3, vm0, $0xb8;
	[tilespmem:$0xC100] =	vst v63  }
0x4f: {  	_ = 	snop  }
0x50: {  	[tilespmem:s30], [sflag:$0x1] =	stream.indirect_vreg.gather [hbm4b:s7+s2], $0x80, v3, vm0, $0xb8;
	[tilespmem:$0xC100] =	vst v63  }
0x51: {  	v3 =	vld [tilespmem:$0x30];
	_ =	sdelay $0x4  }
0x52: {  	v63 =	vshrl.u32 v3, $0x3  }
0x53: {  	v4 =	vmul.u32 $0x30, v63  }
0x54: {  	v3 =	vand.u32 $0x7, v3  }
0x55: {  	v3 =	vor.u32 v3, v4  }
0x56: {  	v4 =	vperm.xlane v3, v0;
	_ =	sdelay $0x1  }
0x57: {  	v4 =	vadd.s32 v1, v4;
	_ =	sdelay $0x3  }
0x58: {  	v3 =	vperm.xlane v3, v2  }
0x59: {  	[tilespmem:s31], [sflag:$0x1] =	stream.indirect_vreg.gather [hbm4b:s3+s2], $0x80, v4, vm0, $0xb8;
	[tilespmem:$0xC100] =	vst v63  }
0x5a: {  	v3 =	vadd.s32 v1, v3  }
0x5b: {  	[tilespmem:s0], [sflag:$0x1] =	stream.indirect_vreg.gather [hbm4b:s6+s2], $0x80, v4, vm0, $0xb8;
	[tilespmem:$0xC100] =	vst v63  }
0x5c: {  	_ = 	snop  }
0x5d: {  	[tilespmem:s1], [sflag:$0x1] =	stream.indirect_vreg.gather [hbm4b:s7+s2], $0x80, v4, vm0, $0xb8;
	[tilespmem:$0xC100] =	vst v63  }
0x5e: {  	_ = 	snop  }
0x5f: {  	[tilespmem:s13], [sflag:$0x1] =	stream.indirect_vreg.gather [hbm4b:s3+s2], $0x80, v3, vm0, $0xb8;
	[tilespmem:$0xC100] =	vst v63  }
0x60: {  	_ = 	snop  }
0x61: {  	[tilespmem:s14], [sflag:$0x1] =	stream.indirect_vreg.gather [hbm4b:s6+s2], $0x80, v3, vm0, $0xb8;
	[tilespmem:$0xC100] =	vst v63  }
0x62: {  	_ = 	snop  }
0x63: {  	[tilespmem:s15], [sflag:$0x1] =	stream.indirect_vreg.gather [hbm4b:s7+s2], $0x80, v3, vm0, $0xb8;
	[tilespmem:$0xC100] =	vst v63  }
0x64: {  	_ =	swait.ge [sflag:s16], $0xC000  }
0x65: {  	[sflag:s16] =	ssyncset.done $0x0  }
0x66: {  	s18 =	simm.s32 $0x0;
	s19 =	simm.s32 $0x0;
	[sflag:s16] =	ssyncadd.s32 $0xFFFF4000  }
.LBB2_2:
0x67: {  	v3 =	vmov s19  }
0x68: {  	s20 =	sshrl.u32 s19, $0x3  }
0x69: {  	s20 =	smul.u32 $0x6000, s20;
	_ =	sdelay $0x1  }
0x6a: {  	s21 =	sand.u32 $0x380, s18;
	s20 =	sshra.s32 s20, $0x2  }
0x6b: {  	s20 =	sor.u32 s21, s20;
	v3 =	vld.idx.msk [tilespmem:v3+s11+$0x0], $0xffff  }
0x6c: {  	v4 =	vld [tilespmem:s20+$0x100]  }
0x6d: {  	v5 =	vld [tilespmem:s20+$0x110]  }
0x6e: {  	v6 =	vld [tilespmem:s20+$0x120]  }
0x6f: {  	v7 =	vld [tilespmem:s20+$0x130]  }
0x70: {  	v8 =	vld [tilespmem:s20+$0x140]  }
0x71: {  	v9 =	vld [tilespmem:s20+$0x150];
	v4 =	vmul.f32 v4, v3  }
0x72: {  	v10 =	vld [tilespmem:s20+$0x160];
	v5 =	vmul.f32 v5, v3  }
0x73: {  	v31 =	vld [tilespmem:s20+$0x170];
	v30 =	vmul.f32 v6, v3;
	[tilespmem:s20+$0x100] =	vst v4  }
0x74: {  	v33 =	vld [tilespmem:s20+$0x500];
	v32 =	vmul.f32 v7, v3;
	[tilespmem:s20+$0x110] =	vst v5  }
0x75: {  	v35 =	vld [tilespmem:s20+$0x510];
	v34 =	vmul.f32 v8, v3;
	[tilespmem:s20+$0x120] =	vst v30  }
0x76: {  	v37 =	vld [tilespmem:s20+$0x520];
	v36 =	vmul.f32 v9, v3;
	[tilespmem:s20+$0x130] =	vst v32  }
0x77: {  	v39 =	vld [tilespmem:s20+$0x530];
	v38 =	vmul.f32 v10, v3;
	[tilespmem:s20+$0x140] =	vst v34  }
0x78: {  	v41 =	vld [tilespmem:s20+$0x540];
	v40 =	vmul.f32 v31, v3;
	[tilespmem:s20+$0x150] =	vst v36  }
0x79: {  	v43 =	vld [tilespmem:s20+$0x550];
	v42 =	vmul.f32 v33, v3;
	[tilespmem:s20+$0x160] =	vst v38  }
0x7a: {  	v45 =	vld [tilespmem:s20+$0x560];
	v44 =	vmul.f32 v35, v3;
	[tilespmem:s20+$0x170] =	vst v40  }
0x7b: {  	v47 =	vld [tilespmem:s20+$0x570];
	v46 =	vmul.f32 v37, v3;
	[tilespmem:s20+$0x500] =	vst v42  }
0x7c: {  	v49 =	vld [tilespmem:s20+$0x900];
	v48 =	vmul.f32 v39, v3;
	[tilespmem:s20+$0x510] =	vst v44  }
0x7d: {  	v51 =	vld [tilespmem:s20+$0x910];
	v50 =	vmul.f32 v41, v3;
	[tilespmem:s20+$0x520] =	vst v46  }
0x7e: {  	v53 =	vld [tilespmem:s20+$0x920];
	v52 =	vmul.f32 v43, v3;
	[tilespmem:s20+$0x530] =	vst v48  }
0x7f: {  	v55 =	vld [tilespmem:s20+$0x930];
	v54 =	vmul.f32 v45, v3;
	[tilespmem:s20+$0x540] =	vst v50  }
0x80: {  	v57 =	vld [tilespmem:s20+$0x940];
	v56 =	vmul.f32 v47, v3;
	[tilespmem:s20+$0x550] =	vst v52  }
0x81: {  	v59 =	vld [tilespmem:s20+$0x950];
	v58 =	vmul.f32 v49, v3;
	[tilespmem:s20+$0x560] =	vst v54  }
0x82: {  	v61 =	vld [tilespmem:s20+$0x960];
	v60 =	vmul.f32 v51, v3;
	[tilespmem:s20+$0x570] =	vst v56  }
0x83: {  	v63 =	vld [tilespmem:s20+$0x970];
	v62 =	vmul.f32 v53, v3;
	[tilespmem:s20+$0x900] =	vst v58  }
0x84: {  	v13 =	vld [tilespmem:s20+$0xD00];
	v12 =	vmul.f32 v55, v3;
	[tilespmem:s20+$0x910] =	vst v60  }
0x85: {  	v15 =	vld [tilespmem:s20+$0xD10];
	v14 =	vmul.f32 v57, v3;
	[tilespmem:s20+$0x920] =	vst v62  }
0x86: {  	v17 =	vld [tilespmem:s20+$0xD20];
	v16 =	vmul.f32 v59, v3;
	[tilespmem:s20+$0x930] =	vst v12  }
0x87: {  	v19 =	vld [tilespmem:s20+$0xD30];
	v18 =	vmul.f32 v61, v3;
	[tilespmem:s20+$0x940] =	vst v14  }
0x88: {  	v21 =	vld [tilespmem:s20+$0xD40];
	v20 =	vmul.f32 v63, v3;
	[tilespmem:s20+$0x950] =	vst v16  }
0x89: {  	v23 =	vld [tilespmem:s20+$0xD50];
	v22 =	vmul.f32 v13, v3;
	[tilespmem:s20+$0x960] =	vst v18  }
0x8a: {  	v25 =	vld [tilespmem:s20+$0xD60];
	v24 =	vmul.f32 v15, v3;
	[tilespmem:s20+$0x970] =	vst v20  }
0x8b: {  	v27 =	vld [tilespmem:s20+$0xD70];
	v26 =	vmul.f32 v17, v3;
	[tilespmem:s20+$0xD00] =	vst v22  }
0x8c: {  	v29 =	vld [tilespmem:s20+$0x1100];
	v28 =	vmul.f32 v19, v3;
	[tilespmem:s20+$0xD10] =	vst v24  }
0x8d: {  	v31 =	vld [tilespmem:s20+$0x1110];
	[tilespmem:s20+$0xD20] =	vst v26;
	v30 =	vmul.f32 v21, v3  }
0x8e: {  	v33 =	vld [tilespmem:s20+$0x1120];
	[tilespmem:s20+$0xD30] =	vst v28;
	v32 =	vmul.f32 v23, v3  }
0x8f: {  	v35 =	vld [tilespmem:s20+$0x1130];
	v34 =	vmul.f32 v25, v3;
	[tilespmem:s20+$0xD40] =	vst v30  }
0x90: {  	v37 =	vld [tilespmem:s20+$0x1140];
	v36 =	vmul.f32 v27, v3;
	[tilespmem:s20+$0xD50] =	vst v32  }
0x91: {  	v39 =	vld [tilespmem:s20+$0x1150];
	v38 =	vmul.f32 v29, v3;
	[tilespmem:s20+$0xD60] =	vst v34  }
0x92: {  	v41 =	vld [tilespmem:s20+$0x1160];
	[tilespmem:s20+$0xD70] =	vst v36;
	v40 =	vmul.f32 v31, v3  }
0x93: {  	v43 =	vld [tilespmem:s20+$0x1170];
	[tilespmem:s20+$0x1100] =	vst v38;
	v42 =	vmul.f32 v33, v3  }
0x94: {  	v45 =	vld [tilespmem:s20+$0x1500];
	v44 =	vmul.f32 v35, v3;
	[tilespmem:s20+$0x1110] =	vst v40  }
0x95: {  	v47 =	vld [tilespmem:s20+$0x1510];
	v46 =	vmul.f32 v37, v3;
	[tilespmem:s20+$0x1120] =	vst v42  }
0x96: {  	v49 =	vld [tilespmem:s20+$0x1520];
	v48 =	vmul.f32 v39, v3;
	[tilespmem:s20+$0x1130] =	vst v44  }
0x97: {  	v51 =	vld [tilespmem:s20+$0x1530];
	v50 =	vmul.f32 v41, v3;
	[tilespmem:s20+$0x1140] =	vst v46  }
0x98: {  	v53 =	vld [tilespmem:s20+$0x1540];
	v52 =	vmul.f32 v43, v3;
	[tilespmem:s20+$0x1150] =	vst v48  }
0x99: {  	v55 =	vld [tilespmem:s20+$0x1550];
	v54 =	vmul.f32 v45, v3;
	[tilespmem:s20+$0x1160] =	vst v50  }
0x9a: {  	v57 =	vld [tilespmem:s20+$0x1560];
	v56 =	vmul.f32 v47, v3;
	[tilespmem:s20+$0x1170] =	vst v52  }
0x9b: {  	v59 =	vld [tilespmem:s20+$0x1570];
	v58 =	vmul.f32 v49, v3;
	[tilespmem:s20+$0x1500] =	vst v54  }
0x9c: {  	v60 =	vmul.f32 v51, v3;
	[tilespmem:s20+$0x1510] =	vst v56  }
0x9d: {  	p0 =	sne.s32 s19, $0x3F;
	v61 =	vmul.f32 v53, v3;
	[tilespmem:s20+$0x1520] =	vst v58  }
.Ltmp0:
0x9e: {  	v62 =	vmul.f32 v55, v3;
	[tilespmem:s20+$0x1530] =	vst v60;
	(pc) =	sbr.rel @p0 .LBB2_2-.Ltmp0, $4  }
0x9f: {  	v63 =	vmul.f32 v57, v3;
	[tilespmem:s20+$0x1540] =	vst v61  }
0xa0: {  	v3 =	vmul.f32 v59, v3;
	[tilespmem:s20+$0x1550] =	vst v62  }
0xa1: {  	[tilespmem:s20+$0x1560] =	vst v63  }
0xa2: {  	s18 =	sadd.s32 $0x80, s18;
	s19 =	sadd.s32 $0x1, s19;
	[tilespmem:s20+$0x1570] =	vst v3  }
0xa3: {  	s17 =	sadd.s32 $0x1, s17  }
0xa4: {  	p0 =	sne.s32 s17, s9  }
.Ltmp1:
0xa5: {  	_ = 	snop;
	(pc) =	sbr.rel @p0 .LBB2_1-.Ltmp1, $4  }
0xa6: {  	[hbm4b:s8+s2] =	stream.linear.scatter [tilespmem:s12], [sflag:$0x2], $0xC000, $0x38;
	[tilespmem:$0xC100] =	vst v63  }
0xa7: {  	_ =	swait.ge [sflag:s10], $0xC000  }
0xa8: {  	[sflag:s10] =	ssyncset.done $0x0  }
0xa9: {  	[sflag:s10] =	ssyncadd.s32 $0xFFFF4000  }
0xaa: {  	_ =	sfence.sel $0x180000  }
0xab: {  	[bflag:$0x0] =	sbarrier.arrive $0xFFFF  }
0xac: {  	_ =	strace $0x9000004A  }
0xad: {  	s0 =	stileid.u32;
	[bflag:$0x2] =	sbarrier.arrive $0xFFFF  }
0xae: {  	p0 =	sne.s32 s0, $0x0;
	s0 =	rddreg [dreg:$0x2]  }
0xaf: {  	s0 =	sadd.s32 @!p0 $0x100000, s0  }
0xb0: {  	[sflag:s0] =	ssyncadd.tile.s32 @!p0 $0x1;
	_ =	shalt  }
.Lfunc_end2:
_tile_overlayer_lowered:
.L_overlay_start_2:
0xb1: {  	(tag) =	ssettag $0x2  }
0xb2: {  	s0 =	rddreg [dreg:$0x0];
	s2 =	stileid.u32  }
0xb3: {  	s1 =	rddreg [dreg:$0x1];
	p0 =	sne.s32 s2, $0x0  }
0xb4: {  	s3 =	rddreg [dreg:$0x2];
	[bflag:$0x3] =	sbarrier.arrive $0xFFFF;
	s2 =	simm.s32 @!p0 $0x1C02  }
0xb5: {  	[timem:s3], [sflag:s2] =	dma.local @!p0 [hbm:s0], s1  }
0xb6: {  	s0 =	simm.s32 @!p0 $0x2  }
0xb7: {  	_ =	swait.ge @!p0 [sflag:s0], s1  }
0xb8: {  	s1 =	ssub.s32 @!p0 $0x0, s1;
	[sflag:s0] =	ssyncset.done @!p0 $0x0  }
0xb9: {  	[sflag:s0] =	ssyncadd.s32 @!p0 s1  }
0xba: {  	[bflag:$0x3] =	sbarrier.arrive $0xFFFF  }
0xbb: {  	_ =	shalt  }

</sc_bundles>
